<compile_context>
chip_gen: v7x
topology: tpu7x:2x2x1
jax: 0.10.2.dev20260603
libtpu: 0.0.44.dev20260713+nightly
codegen_flags: <defaults>
</compile_context>

<pallas_src>
import functools

import jax
import jax.numpy as jnp
from jax import lax
from jax.experimental import pallas as pl
from jax.experimental.pallas import tpu as pltpu
from jax.experimental.pallas import tpu_sc as plsc

BATCH = 16384
EMBED = 64

_info = plsc.get_sparse_core_info()
NC, NS, L = _info.num_cores, _info.num_subcores, _info.num_lanes
NW = NC * NS
B_PER_W = BATCH // NW
K = 4
ROUNDS = B_PER_W // K
SLABW = 128


def _sc_kernel(users_hbm, items_hbm, ut_hbm, it_hbm, out_hbm,
               uidx_v, iidx_v, uslab_v, islab_v, out_v, usem, isem):
    wid = lax.axis_index("s") * NC + lax.axis_index("c")
    base = wid * B_PER_W

    pltpu.sync_copy(users_hbm.at[wid], uidx_v)
    pltpu.sync_copy(items_hbm.at[wid], iidx_v)

    iota = lax.iota(jnp.int32, L)

    def bidx(ref, e):
        return plsc.load_gather(ref, [jnp.full((L,), e, jnp.int32)])

    def fire(e, b):
        u = bidx(uidx_v, e)[0]
        uoff = pl.multiple_of(lax.shift_right_logical(u, 7) * SLABW, SLABW)
        pltpu.async_copy(ut_hbm.at[:, pl.ds(uoff, SLABW)], uslab_v.at[b], usem.at[b])
        v = bidx(iidx_v, e)[0]
        voff = pl.multiple_of(lax.shift_right_logical(v, 7) * SLABW, SLABW)
        pltpu.async_copy(it_hbm.at[:, pl.ds(voff, SLABW)], islab_v.at[b], isem.at[b])

    for b in range(K):
        fire(b, b)

    def round_body(r, vec):
        lane0 = lax.rem(r, L // K) * K
        for b in range(K):
            e = r * K + b
            pltpu.make_async_copy(
                ut_hbm.at[:, pl.ds(0, SLABW)], uslab_v.at[b], usem.at[b]).wait()
            pltpu.make_async_copy(
                it_hbm.at[:, pl.ds(0, SLABW)], islab_v.at[b], isem.at[b]).wait()

            cu = lax.bitwise_and(bidx(uidx_v, e), SLABW - 1)
            ci = lax.bitwise_and(bidx(iidx_v, e), SLABW - 1)
            acc = jnp.zeros((L,), jnp.float32)
            for k in range(EMBED // L):
                rows = k * L + iota
                uv = plsc.load_gather(uslab_v.at[b], [rows, cu])
                iv = plsc.load_gather(islab_v.at[b], [rows, ci])
                acc = acc + uv * iv
            vec = jnp.where(iota == lane0 + b, jnp.sum(acc), vec)

            f = e + K
            @pl.when(f < B_PER_W)
            def _():
                fire(f, b)

        @pl.when(lane0 + K == L)
        def _():
            out_v[pl.ds((r // (L // K)) * L, L)] = vec
        return vec

    lax.fori_loop(0, ROUNDS, round_body, jnp.zeros((L,), jnp.float32))

    pltpu.sync_copy(out_v, out_hbm.at[pl.ds(base, B_PER_W)])


def kernel(users, items, user_table, item_table):
    users_2d = users.reshape(NW, B_PER_W)
    items_2d = items.reshape(NW, B_PER_W)

    run = functools.partial(
        pl.kernel,
        mesh=plsc.VectorSubcoreMesh(core_axis_name="c", subcore_axis_name="s"),
        out_type=jax.ShapeDtypeStruct((BATCH,), jnp.float32),
        scratch_types=[
            pltpu.VMEM((B_PER_W,), jnp.int32),
            pltpu.VMEM((B_PER_W,), jnp.int32),
            pltpu.VMEM((K, EMBED, SLABW), jnp.float32),
            pltpu.VMEM((K, EMBED, SLABW), jnp.float32),
            pltpu.VMEM((B_PER_W,), jnp.float32),
            pltpu.SemaphoreType.DMA((K,)),
            pltpu.SemaphoreType.DMA((K,)),
        ],
        compiler_params=pltpu.CompilerParams(needs_layout_passes=False),
    )(_sc_kernel)
    return run(users_2d, items_2d, user_table.T, item_table.T)

# --- scband reference (transcript-rebuilt; emitter-appended) ---
"""Pipeline reference for scband-recommender-net-3255585210984 (READ-ONLY COPY).

The authoritative reference and input builder live on the scoring server;
editing this copy changes nothing except your own understanding.
"""

import jax, jax.numpy as jnp
import numpy as np

NUM_USERS = 1000000
NUM_ITEMS = 1000000
EMBED = 64
BATCH = 16384


def setup_inputs(seed: int = 0) -> dict:
    key = jax.random.key(seed)
    k1, k2, k3, k4 = jax.random.split(key, 4)
    users = jax.random.randint(k1, (BATCH,), 0, NUM_USERS, dtype=jnp.int64 if jax.config.jax_enable_x64 else jnp.int32).astype(jnp.int32)
    items = jax.random.randint(k2, (BATCH,), 0, NUM_ITEMS, dtype=jnp.int32)
    user_table = jax.random.normal(k3, (NUM_USERS, EMBED), dtype=jnp.float32)
    item_table = jax.random.normal(k4, (NUM_ITEMS, EMBED), dtype=jnp.float32)
    return {"users": users, "items": items, "user_table": user_table, "item_table": item_table}


def reference(users, items, user_table, item_table):
    user_vecs = jnp.take(user_table, users, axis=0)
    item_vecs = jnp.take(item_table, items, axis=0)
    scores = jnp.sum(user_vecs * item_vecs, axis=1)
    return scores

if __name__ == "__main__":
    import jax
    _d = setup_inputs()
    print(jax.jit(kernel)(*tuple(_d.values())))

</pallas_src>

<mosaic_0001>
#map = affine_map<(d0, d1) -> (0, 0)>
#map1 = affine_map<(d0, d1) -> (0)>
module attributes {stable_mosaic.version = 14 : i64} {
  func.func @_sc_kernel(%arg0: i32, %arg1: i32, %arg2: memref<32x512xi32, #tpu.memory_space<hbm>>, %arg3: memref<32x512xi32, #tpu.memory_space<hbm>>, %arg4: memref<64x1000000xf32, #tpu.memory_space<hbm>>, %arg5: memref<64x1000000xf32, #tpu.memory_space<hbm>>, %arg6: memref<16384xf32, #tpu.memory_space<hbm>>, %arg7: memref<512xi32, #tpu.memory_space<vmem>>, %arg8: memref<512xi32, #tpu.memory_space<vmem>>, %arg9: memref<4x64x128xf32, #tpu.memory_space<vmem>>, %arg10: memref<4x64x128xf32, #tpu.memory_space<vmem>>, %arg11: memref<512xf32, #tpu.memory_space<vmem>>, %arg12: memref<4x!tpu.dma_semaphore, #tpu.memory_space<semaphore_mem>>, %arg13: memref<4x!tpu.dma_semaphore, #tpu.memory_space<semaphore_mem>>) attributes {dimension_semantics = [#tpu.dimension_semantics<core_parallel>, #tpu.dimension_semantics<subcore_parallel>], iteration_bounds = array<i64: 2, 16>, scalar_prefetch = 0 : i64, scratch_operands = 7 : i64, tpu.core_type = #tpu.core_type<sc_vector_subcore>, window_params = [{transform_indices = #map}, {transform_indices = #map}, {transform_indices = #map}, {transform_indices = #map}, {transform_indices = #map1}]} {
    %mul3A = arith.constant 2 : i32
    %mul3A_0 = arith.muli %arg1, %mul3A : i32
    %add3A = arith.addi %mul3A_0, %arg0 : i32
    %mul3A_1 = arith.constant 512 : i32
    %mul3A_2 = arith.muli %add3A, %mul3A_1 : i32
    "tpu.region"() ({
      %run_scoped3A = tpu.sem_alloc : memref<!tpu.dma_semaphore, #tpu.memory_space<semaphore_mem>>
      %dma_start3A_211 = arith.constant 0 : i32
      %dma_start3A_212 = tpu.memref_slice %arg2[%add3A, %dma_start3A_211] : memref<32x512xi32, #tpu.memory_space<hbm>> -> memref<1x512xi32, #tpu.memory_space<hbm>>
      %dma_start3A_213 = tpu.memref_squeeze %dma_start3A_212 : memref<1x512xi32, #tpu.memory_space<hbm>> -> memref<512xi32, #tpu.memory_space<hbm>>
      %dma_start3A_214 = arith.constant 0 : i32
      %dma_start3A_215 = tpu.memref_slice %arg2[%add3A, %dma_start3A_214] : memref<32x512xi32, #tpu.memory_space<hbm>> -> memref<1x512xi32, #tpu.memory_space<hbm>>
      %dma_start3A_216 = tpu.memref_squeeze %dma_start3A_215 : memref<1x512xi32, #tpu.memory_space<hbm>> -> memref<512xi32, #tpu.memory_space<hbm>>
      tpu.enqueue_dma source(%dma_start3A_216 : memref<512xi32, #tpu.memory_space<hbm>>) target(%arg7 : memref<512xi32, #tpu.memory_space<vmem>>) target_semaphore(%run_scoped3A : memref<!tpu.dma_semaphore, #tpu.memory_space<semaphore_mem>>)
      %dma_wait3A = arith.constant 0 : i32
      %dma_wait3A_217 = tpu.memref_slice %arg2[%add3A, %dma_wait3A] : memref<32x512xi32, #tpu.memory_space<hbm>> -> memref<1x512xi32, #tpu.memory_space<hbm>>
      %dma_wait3A_218 = tpu.memref_squeeze %dma_wait3A_217 : memref<1x512xi32, #tpu.memory_space<hbm>> -> memref<512xi32, #tpu.memory_space<hbm>>
      %dma_wait3A_219 = arith.constant 0 : i32
      %dma_wait3A_220 = tpu.memref_slice %arg2[%add3A, %dma_wait3A_219] : memref<32x512xi32, #tpu.memory_space<hbm>> -> memref<1x512xi32, #tpu.memory_space<hbm>>
      %dma_wait3A_221 = tpu.memref_squeeze %dma_wait3A_220 : memref<1x512xi32, #tpu.memory_space<hbm>> -> memref<512xi32, #tpu.memory_space<hbm>>
      tpu.wait_dma2 semaphore(%run_scoped3A : memref<!tpu.dma_semaphore, #tpu.memory_space<semaphore_mem>>) src(%dma_wait3A_221 : memref<512xi32, #tpu.memory_space<hbm>>) dst(%arg7 : memref<512xi32, #tpu.memory_space<vmem>>)
      tpu.yield
    }) : () -> ()
    "tpu.region"() ({
      %run_scoped3A = tpu.sem_alloc : memref<!tpu.dma_semaphore, #tpu.memory_space<semaphore_mem>>
      %dma_start3A_211 = arith.constant 0 : i32
      %dma_start3A_212 = tpu.memref_slice %arg3[%add3A, %dma_start3A_211] : memref<32x512xi32, #tpu.memory_space<hbm>> -> memref<1x512xi32, #tpu.memory_space<hbm>>
      %dma_start3A_213 = tpu.memref_squeeze %dma_start3A_212 : memref<1x512xi32, #tpu.memory_space<hbm>> -> memref<512xi32, #tpu.memory_space<hbm>>
      %dma_start3A_214 = arith.constant 0 : i32
      %dma_start3A_215 = tpu.memref_slice %arg3[%add3A, %dma_start3A_214] : memref<32x512xi32, #tpu.memory_space<hbm>> -> memref<1x512xi32, #tpu.memory_space<hbm>>
      %dma_start3A_216 = tpu.memref_squeeze %dma_start3A_215 : memref<1x512xi32, #tpu.memory_space<hbm>> -> memref<512xi32, #tpu.memory_space<hbm>>
      tpu.enqueue_dma source(%dma_start3A_216 : memref<512xi32, #tpu.memory_space<hbm>>) target(%arg8 : memref<512xi32, #tpu.memory_space<vmem>>) target_semaphore(%run_scoped3A : memref<!tpu.dma_semaphore, #tpu.memory_space<semaphore_mem>>)
      %dma_wait3A = arith.constant 0 : i32
      %dma_wait3A_217 = tpu.memref_slice %arg3[%add3A, %dma_wait3A] : memref<32x512xi32, #tpu.memory_space<hbm>> -> memref<1x512xi32, #tpu.memory_space<hbm>>
      %dma_wait3A_218 = tpu.memref_squeeze %dma_wait3A_217 : memref<1x512xi32, #tpu.memory_space<hbm>> -> memref<512xi32, #tpu.memory_space<hbm>>
      %dma_wait3A_219 = arith.constant 0 : i32
      %dma_wait3A_220 = tpu.memref_slice %arg3[%add3A, %dma_wait3A_219] : memref<32x512xi32, #tpu.memory_space<hbm>> -> memref<1x512xi32, #tpu.memory_space<hbm>>
      %dma_wait3A_221 = tpu.memref_squeeze %dma_wait3A_220 : memref<1x512xi32, #tpu.memory_space<hbm>> -> memref<512xi32, #tpu.memory_space<hbm>>
      tpu.wait_dma2 semaphore(%run_scoped3A : memref<!tpu.dma_semaphore, #tpu.memory_space<semaphore_mem>>) src(%dma_wait3A_221 : memref<512xi32, #tpu.memory_space<hbm>>) dst(%arg8 : memref<512xi32, #tpu.memory_space<vmem>>)
      tpu.yield
    }) : () -> ()
    %iota3A = tpu.iota {dimensions = array<i32: 0>} : vector<16xi32>
    %broadcast_in_dim3A = arith.constant 0 : i32
    %broadcast_in_dim3A_3 = vector.broadcast %broadcast_in_dim3A : i32 to vector<16xi32>
    %gather3A = tpu.vector_load_idx %arg7[%broadcast_in_dim3A_3] : memref<512xi32, #tpu.memory_space<vmem>>[vector<16xi32>], vector<16xi32>,
    %slice3A = vector.extract_strided_slice %gather3A {offsets = [0], sizes = [1], strides = [1]} : vector<16xi32> to vector<1xi32>
    %squeeze3A = vector.extract %slice3A[0] : i32 from vector<1xi32>
    %shift_right_logical3A = arith.constant 7 : i32
    %shift_right_logical3A_4 = arith.shrui %squeeze3A, %shift_right_logical3A : i32
    %mul3A_5 = arith.constant 128 : i32
    %mul3A_6 = arith.muli %shift_right_logical3A_4, %mul3A_5 : i32
    %multiple_of3A = tpu.assume_multiple %mul3A_6, 128 : i32
    %dma_start3A = arith.constant 0 : i32
    %dma_start3A_7 = arith.constant 0 : i32
    %dma_start3A_8 = arith.constant 0 : i32
    %dma_start3A_9 = arith.constant 0 : i32
    %dma_start3A_10 = tpu.memref_slice %arg9[%dma_start3A, %dma_start3A_8, %dma_start3A_9] : memref<4x64x128xf32, #tpu.memory_space<vmem>> -> memref<1x64x128xf32, #tpu.memory_space<vmem>>
    %dma_start3A_11 = tpu.memref_squeeze %dma_start3A_10 : memref<1x64x128xf32, #tpu.memory_space<vmem>> -> memref<64x128xf32, #tpu.memory_space<vmem>>
    %dma_start3A_12 = arith.constant 0 : i32
    %dma_start3A_13 = tpu.memref_slice %arg4[%dma_start3A_12, %multiple_of3A] : memref<64x1000000xf32, #tpu.memory_space<hbm>> -> memref<64x128xf32, #tpu.memory_space<hbm>>
    %dma_start3A_14 = tpu.memref_slice %arg12[%dma_start3A_7] : memref<4x!tpu.dma_semaphore, #tpu.memory_space<semaphore_mem>> -> memref<1x!tpu.dma_semaphore, #tpu.memory_space<semaphore_mem>>
    %dma_start3A_15 = tpu.memref_squeeze %dma_start3A_14 : memref<1x!tpu.dma_semaphore, #tpu.memory_space<semaphore_mem>> -> memref<!tpu.dma_semaphore, #tpu.memory_space<semaphore_mem>>
    %dma_start3A_16 = arith.constant 0 : i32
    %dma_start3A_17 = arith.constant 0 : i32
    %dma_start3A_18 = tpu.memref_slice %arg9[%dma_start3A, %dma_start3A_16, %dma_start3A_17] : memref<4x64x128xf32, #tpu.memory_space<vmem>> -> memref<1x64x128xf32, #tpu.memory_space<vmem>>
    %dma_start3A_19 = tpu.memref_squeeze %dma_start3A_18 : memref<1x64x128xf32, #tpu.memory_space<vmem>> -> memref<64x128xf32, #tpu.memory_space<vmem>>
    %dma_start3A_20 = arith.constant 0 : i32
    %dma_start3A_21 = tpu.memref_slice %arg4[%dma_start3A_20, %multiple_of3A] : memref<64x1000000xf32, #tpu.memory_space<hbm>> -> memref<64x128xf32, #tpu.memory_space<hbm>>
    tpu.enqueue_dma source(%dma_start3A_21 : memref<64x128xf32, #tpu.memory_space<hbm>>) target(%dma_start3A_19 : memref<64x128xf32, #tpu.memory_space<vmem>>) target_semaphore(%dma_start3A_15 : memref<!tpu.dma_semaphore, #tpu.memory_space<semaphore_mem>>)
    %broadcast_in_dim3A_22 = arith.constant 0 : i32
    %broadcast_in_dim3A_23 = vector.broadcast %broadcast_in_dim3A_22 : i32 to vector<16xi32>
    %gather3A_24 = tpu.vector_load_idx %arg8[%broadcast_in_dim3A_23] : memref<512xi32, #tpu.memory_space<vmem>>[vector<16xi32>], vector<16xi32>,
    %slice3A_25 = vector.extract_strided_slice %gather3A_24 {offsets = [0], sizes = [1], strides = [1]} : vector<16xi32> to vector<1xi32>
    %squeeze3A_26 = vector.extract %slice3A_25[0] : i32 from vector<1xi32>
    %shift_right_logical3A_27 = arith.constant 7 : i32
    %shift_right_logical3A_28 = arith.shrui %squeeze3A_26, %shift_right_logical3A_27 : i32
    %mul3A_29 = arith.constant 128 : i32
    %mul3A_30 = arith.muli %shift_right_logical3A_28, %mul3A_29 : i32
    %multiple_of3A_31 = tpu.assume_multiple %mul3A_30, 128 : i32
    %dma_start3A_32 = arith.constant 0 : i32
    %dma_start3A_33 = arith.constant 0 : i32
    %dma_start3A_34 = arith.constant 0 : i32
    %dma_start3A_35 = arith.constant 0 : i32
    %dma_start3A_36 = tpu.memref_slice %arg10[%dma_start3A_32, %dma_start3A_34, %dma_start3A_35] : memref<4x64x128xf32, #tpu.memory_space<vmem>> -> memref<1x64x128xf32, #tpu.memory_space<vmem>>
    %dma_start3A_37 = tpu.memref_squeeze %dma_start3A_36 : memref<1x64x128xf32, #tpu.memory_space<vmem>> -> memref<64x128xf32, #tpu.memory_space<vmem>>
    %dma_start3A_38 = arith.constant 0 : i32
    %dma_start3A_39 = tpu.memref_slice %arg5[%dma_start3A_38, %multiple_of3A_31] : memref<64x1000000xf32, #tpu.memory_space<hbm>> -> memref<64x128xf32, #tpu.memory_space<hbm>>
    %dma_start3A_40 = tpu.memref_slice %arg13[%dma_start3A_33] : memref<4x!tpu.dma_semaphore, #tpu.memory_space<semaphore_mem>> -> memref<1x!tpu.dma_semaphore, #tpu.memory_space<semaphore_mem>>
    %dma_start3A_41 = tpu.memref_squeeze %dma_start3A_40 : memref<1x!tpu.dma_semaphore, #tpu.memory_space<semaphore_mem>> -> memref<!tpu.dma_semaphore, #tpu.memory_space<semaphore_mem>>
    %dma_start3A_42 = arith.constant 0 : i32
    %dma_start3A_43 = arith.constant 0 : i32
    %dma_start3A_44 = tpu.memref_slice %arg10[%dma_start3A_32, %dma_start3A_42, %dma_start3A_43] : memref<4x64x128xf32, #tpu.memory_space<vmem>> -> memref<1x64x128xf32, #tpu.memory_space<vmem>>
    %dma_start3A_45 = tpu.memref_squeeze %dma_start3A_44 : memref<1x64x128xf32, #tpu.memory_space<vmem>> -> memref<64x128xf32, #tpu.memory_space<vmem>>
    %dma_start3A_46 = arith.constant 0 : i32
    %dma_start3A_47 = tpu.memref_slice %arg5[%dma_start3A_46, %multiple_of3A_31] : memref<64x1000000xf32, #tpu.memory_space<hbm>> -> memref<64x128xf32, #tpu.memory_space<hbm>>
    tpu.enqueue_dma source(%dma_start3A_47 : memref<64x128xf32, #tpu.memory_space<hbm>>) target(%dma_start3A_45 : memref<64x128xf32, #tpu.memory_space<vmem>>) target_semaphore(%dma_start3A_41 : memref<!tpu.dma_semaphore, #tpu.memory_space<semaphore_mem>>)
    %broadcast_in_dim3A_48 = arith.constant 1 : i32
    %broadcast_in_dim3A_49 = vector.broadcast %broadcast_in_dim3A_48 : i32 to vector<16xi32>
    %gather3A_50 = tpu.vector_load_idx %arg7[%broadcast_in_dim3A_49] : memref<512xi32, #tpu.memory_space<vmem>>[vector<16xi32>], vector<16xi32>,
    %slice3A_51 = vector.extract_strided_slice %gather3A_50 {offsets = [0], sizes = [1], strides = [1]} : vector<16xi32> to vector<1xi32>
    %squeeze3A_52 = vector.extract %slice3A_51[0] : i32 from vector<1xi32>
    %shift_right_logical3A_53 = arith.constant 7 : i32
    %shift_right_logical3A_54 = arith.shrui %squeeze3A_52, %shift_right_logical3A_53 : i32
    %mul3A_55 = arith.constant 128 : i32
    %mul3A_56 = arith.muli %shift_right_logical3A_54, %mul3A_55 : i32
    %multiple_of3A_57 = tpu.assume_multiple %mul3A_56, 128 : i32
    %dma_start3A_58 = arith.constant 1 : i32
    %dma_start3A_59 = arith.constant 1 : i32
    %dma_start3A_60 = arith.constant 0 : i32
    %dma_start3A_61 = arith.constant 0 : i32
    %dma_start3A_62 = tpu.memref_slice %arg9[%dma_start3A_58, %dma_start3A_60, %dma_start3A_61] : memref<4x64x128xf32, #tpu.memory_space<vmem>> -> memref<1x64x128xf32, #tpu.memory_space<vmem>>
    %dma_start3A_63 = tpu.memref_squeeze %dma_start3A_62 : memref<1x64x128xf32, #tpu.memory_space<vmem>> -> memref<64x128xf32, #tpu.memory_space<vmem>>
    %dma_start3A_64 = arith.constant 0 : i32
    %dma_start3A_65 = tpu.memref_slice %arg4[%dma_start3A_64, %multiple_of3A_57] : memref<64x1000000xf32, #tpu.memory_space<hbm>> -> memref<64x128xf32, #tpu.memory_space<hbm>>
    %dma_start3A_66 = tpu.memref_slice %arg12[%dma_start3A_59] : memref<4x!tpu.dma_semaphore, #tpu.memory_space<semaphore_mem>> -> memref<1x!tpu.dma_semaphore, #tpu.memory_space<semaphore_mem>>
    %dma_start3A_67 = tpu.memref_squeeze %dma_start3A_66 : memref<1x!tpu.dma_semaphore, #tpu.memory_space<semaphore_mem>> -> memref<!tpu.dma_semaphore, #tpu.memory_space<semaphore_mem>>
    %dma_start3A_68 = arith.constant 0 : i32
    %dma_start3A_69 = arith.constant 0 : i32
    %dma_start3A_70 = tpu.memref_slice %arg9[%dma_start3A_58, %dma_start3A_68, %dma_start3A_69] : memref<4x64x128xf32, #tpu.memory_space<vmem>> -> memref<1x64x128xf32, #tpu.memory_space<vmem>>
    %dma_start3A_71 = tpu.memref_squeeze %dma_start3A_70 : memref<1x64x128xf32, #tpu.memory_space<vmem>> -> memref<64x128xf32, #tpu.memory_space<vmem>>
    %dma_start3A_72 = arith.constant 0 : i32
    %dma_start3A_73 = tpu.memref_slice %arg4[%dma_start3A_72, %multiple_of3A_57] : memref<64x1000000xf32, #tpu.memory_space<hbm>> -> memref<64x128xf32, #tpu.memory_space<hbm>>
    tpu.enqueue_dma source(%dma_start3A_73 : memref<64x128xf32, #tpu.memory_space<hbm>>) target(%dma_start3A_71 : memref<64x128xf32, #tpu.memory_space<vmem>>) target_semaphore(%dma_start3A_67 : memref<!tpu.dma_semaphore, #tpu.memory_space<semaphore_mem>>)
    %broadcast_in_dim3A_74 = arith.constant 1 : i32
    %broadcast_in_dim3A_75 = vector.broadcast %broadcast_in_dim3A_74 : i32 to vector<16xi32>
    %gather3A_76 = tpu.vector_load_idx %arg8[%broadcast_in_dim3A_75] : memref<512xi32, #tpu.memory_space<vmem>>[vector<16xi32>], vector<16xi32>,
    %slice3A_77 = vector.extract_strided_slice %gather3A_76 {offsets = [0], sizes = [1], strides = [1]} : vector<16xi32> to vector<1xi32>
    %squeeze3A_78 = vector.extract %slice3A_77[0] : i32 from vector<1xi32>
    %shift_right_logical3A_79 = arith.constant 7 : i32
    %shift_right_logical3A_80 = arith.shrui %squeeze3A_78, %shift_right_logical3A_79 : i32
    %mul3A_81 = arith.constant 128 : i32
    %mul3A_82 = arith.muli %shift_right_logical3A_80, %mul3A_81 : i32
    %multiple_of3A_83 = tpu.assume_multiple %mul3A_82, 128 : i32
    %dma_start3A_84 = arith.constant 1 : i32
    %dma_start3A_85 = arith.constant 1 : i32
    %dma_start3A_86 = arith.constant 0 : i32
    %dma_start3A_87 = arith.constant 0 : i32
    %dma_start3A_88 = tpu.memref_slice %arg10[%dma_start3A_84, %dma_start3A_86, %dma_start3A_87] : memref<4x64x128xf32, #tpu.memory_space<vmem>> -> memref<1x64x128xf32, #tpu.memory_space<vmem>>
    %dma_start3A_89 = tpu.memref_squeeze %dma_start3A_88 : memref<1x64x128xf32, #tpu.memory_space<vmem>> -> memref<64x128xf32, #tpu.memory_space<vmem>>
    %dma_start3A_90 = arith.constant 0 : i32
    %dma_start3A_91 = tpu.memref_slice %arg5[%dma_start3A_90, %multiple_of3A_83] : memref<64x1000000xf32, #tpu.memory_space<hbm>> -> memref<64x128xf32, #tpu.memory_space<hbm>>
    %dma_start3A_92 = tpu.memref_slice %arg13[%dma_start3A_85] : memref<4x!tpu.dma_semaphore, #tpu.memory_space<semaphore_mem>> -> memref<1x!tpu.dma_semaphore, #tpu.memory_space<semaphore_mem>>
    %dma_start3A_93 = tpu.memref_squeeze %dma_start3A_92 : memref<1x!tpu.dma_semaphore, #tpu.memory_space<semaphore_mem>> -> memref<!tpu.dma_semaphore, #tpu.memory_space<semaphore_mem>>
    %dma_start3A_94 = arith.constant 0 : i32
    %dma_start3A_95 = arith.constant 0 : i32
    %dma_start3A_96 = tpu.memref_slice %arg10[%dma_start3A_84, %dma_start3A_94, %dma_start3A_95] : memref<4x64x128xf32, #tpu.memory_space<vmem>> -> memref<1x64x128xf32, #tpu.memory_space<vmem>>
    %dma_start3A_97 = tpu.memref_squeeze %dma_start3A_96 : memref<1x64x128xf32, #tpu.memory_space<vmem>> -> memref<64x128xf32, #tpu.memory_space<vmem>>
    %dma_start3A_98 = arith.constant 0 : i32
    %dma_start3A_99 = tpu.memref_slice %arg5[%dma_start3A_98, %multiple_of3A_83] : memref<64x1000000xf32, #tpu.memory_space<hbm>> -> memref<64x128xf32, #tpu.memory_space<hbm>>
    tpu.enqueue_dma source(%dma_start3A_99 : memref<64x128xf32, #tpu.memory_space<hbm>>) target(%dma_start3A_97 : memref<64x128xf32, #tpu.memory_space<vmem>>) target_semaphore(%dma_start3A_93 : memref<!tpu.dma_semaphore, #tpu.memory_space<semaphore_mem>>)
    %broadcast_in_dim3A_100 = arith.constant 2 : i32
    %broadcast_in_dim3A_101 = vector.broadcast %broadcast_in_dim3A_100 : i32 to vector<16xi32>
    %gather3A_102 = tpu.vector_load_idx %arg7[%broadcast_in_dim3A_101] : memref<512xi32, #tpu.memory_space<vmem>>[vector<16xi32>], vector<16xi32>,
    %slice3A_103 = vector.extract_strided_slice %gather3A_102 {offsets = [0], sizes = [1], strides = [1]} : vector<16xi32> to vector<1xi32>
    %squeeze3A_104 = vector.extract %slice3A_103[0] : i32 from vector<1xi32>
    %shift_right_logical3A_105 = arith.constant 7 : i32
    %shift_right_logical3A_106 = arith.shrui %squeeze3A_104, %shift_right_logical3A_105 : i32
    %mul3A_107 = arith.constant 128 : i32
    %mul3A_108 = arith.muli %shift_right_logical3A_106, %mul3A_107 : i32
    %multiple_of3A_109 = tpu.assume_multiple %mul3A_108, 128 : i32
    %dma_start3A_110 = arith.constant 2 : i32
    %dma_start3A_111 = arith.constant 2 : i32
    %dma_start3A_112 = arith.constant 0 : i32
    %dma_start3A_113 = arith.constant 0 : i32
    %dma_start3A_114 = tpu.memref_slice %arg9[%dma_start3A_110, %dma_start3A_112, %dma_start3A_113] : memref<4x64x128xf32, #tpu.memory_space<vmem>> -> memref<1x64x128xf32, #tpu.memory_space<vmem>>
    %dma_start3A_115 = tpu.memref_squeeze %dma_start3A_114 : memref<1x64x128xf32, #tpu.memory_space<vmem>> -> memref<64x128xf32, #tpu.memory_space<vmem>>
    %dma_start3A_116 = arith.constant 0 : i32
    %dma_start3A_117 = tpu.memref_slice %arg4[%dma_start3A_116, %multiple_of3A_109] : memref<64x1000000xf32, #tpu.memory_space<hbm>> -> memref<64x128xf32, #tpu.memory_space<hbm>>
    %dma_start3A_118 = tpu.memref_slice %arg12[%dma_start3A_111] : memref<4x!tpu.dma_semaphore, #tpu.memory_space<semaphore_mem>> -> memref<1x!tpu.dma_semaphore, #tpu.memory_space<semaphore_mem>>
    %dma_start3A_119 = tpu.memref_squeeze %dma_start3A_118 : memref<1x!tpu.dma_semaphore, #tpu.memory_space<semaphore_mem>> -> memref<!tpu.dma_semaphore, #tpu.memory_space<semaphore_mem>>
    %dma_start3A_120 = arith.constant 0 : i32
    %dma_start3A_121 = arith.constant 0 : i32
    %dma_start3A_122 = tpu.memref_slice %arg9[%dma_start3A_110, %dma_start3A_120, %dma_start3A_121] : memref<4x64x128xf32, #tpu.memory_space<vmem>> -> memref<1x64x128xf32, #tpu.memory_space<vmem>>
    %dma_start3A_123 = tpu.memref_squeeze %dma_start3A_122 : memref<1x64x128xf32, #tpu.memory_space<vmem>> -> memref<64x128xf32, #tpu.memory_space<vmem>>
    %dma_start3A_124 = arith.constant 0 : i32
    %dma_start3A_125 = tpu.memref_slice %arg4[%dma_start3A_124, %multiple_of3A_109] : memref<64x1000000xf32, #tpu.memory_space<hbm>> -> memref<64x128xf32, #tpu.memory_space<hbm>>
    tpu.enqueue_dma source(%dma_start3A_125 : memref<64x128xf32, #tpu.memory_space<hbm>>) target(%dma_start3A_123 : memref<64x128xf32, #tpu.memory_space<vmem>>) target_semaphore(%dma_start3A_119 : memref<!tpu.dma_semaphore, #tpu.memory_space<semaphore_mem>>)
    %broadcast_in_dim3A_126 = arith.constant 2 : i32
    %broadcast_in_dim3A_127 = vector.broadcast %broadcast_in_dim3A_126 : i32 to vector<16xi32>
    %gather3A_128 = tpu.vector_load_idx %arg8[%broadcast_in_dim3A_127] : memref<512xi32, #tpu.memory_space<vmem>>[vector<16xi32>], vector<16xi32>,
    %slice3A_129 = vector.extract_strided_slice %gather3A_128 {offsets = [0], sizes = [1], strides = [1]} : vector<16xi32> to vector<1xi32>
    %squeeze3A_130 = vector.extract %slice3A_129[0] : i32 from vector<1xi32>
    %shift_right_logical3A_131 = arith.constant 7 : i32
    %shift_right_logical3A_132 = arith.shrui %squeeze3A_130, %shift_right_logical3A_131 : i32
    %mul3A_133 = arith.constant 128 : i32
    %mul3A_134 = arith.muli %shift_right_logical3A_132, %mul3A_133 : i32
    %multiple_of3A_135 = tpu.assume_multiple %mul3A_134, 128 : i32
    %dma_start3A_136 = arith.constant 2 : i32
    %dma_start3A_137 = arith.constant 2 : i32
    %dma_start3A_138 = arith.constant 0 : i32
    %dma_start3A_139 = arith.constant 0 : i32
    %dma_start3A_140 = tpu.memref_slice %arg10[%dma_start3A_136, %dma_start3A_138, %dma_start3A_139] : memref<4x64x128xf32, #tpu.memory_space<vmem>> -> memref<1x64x128xf32, #tpu.memory_space<vmem>>
    %dma_start3A_141 = tpu.memref_squeeze %dma_start3A_140 : memref<1x64x128xf32, #tpu.memory_space<vmem>> -> memref<64x128xf32, #tpu.memory_space<vmem>>
    %dma_start3A_142 = arith.constant 0 : i32
    %dma_start3A_143 = tpu.memref_slice %arg5[%dma_start3A_142, %multiple_of3A_135] : memref<64x1000000xf32, #tpu.memory_space<hbm>> -> memref<64x128xf32, #tpu.memory_space<hbm>>
    %dma_start3A_144 = tpu.memref_slice %arg13[%dma_start3A_137] : memref<4x!tpu.dma_semaphore, #tpu.memory_space<semaphore_mem>> -> memref<1x!tpu.dma_semaphore, #tpu.memory_space<semaphore_mem>>
    %dma_start3A_145 = tpu.memref_squeeze %dma_start3A_144 : memref<1x!tpu.dma_semaphore, #tpu.memory_space<semaphore_mem>> -> memref<!tpu.dma_semaphore, #tpu.memory_space<semaphore_mem>>
    %dma_start3A_146 = arith.constant 0 : i32
    %dma_start3A_147 = arith.constant 0 : i32
    %dma_start3A_148 = tpu.memref_slice %arg10[%dma_start3A_136, %dma_start3A_146, %dma_start3A_147] : memref<4x64x128xf32, #tpu.memory_space<vmem>> -> memref<1x64x128xf32, #tpu.memory_space<vmem>>
    %dma_start3A_149 = tpu.memref_squeeze %dma_start3A_148 : memref<1x64x128xf32, #tpu.memory_space<vmem>> -> memref<64x128xf32, #tpu.memory_space<vmem>>
    %dma_start3A_150 = arith.constant 0 : i32
    %dma_start3A_151 = tpu.memref_slice %arg5[%dma_start3A_150, %multiple_of3A_135] : memref<64x1000000xf32, #tpu.memory_space<hbm>> -> memref<64x128xf32, #tpu.memory_space<hbm>>
    tpu.enqueue_dma source(%dma_start3A_151 : memref<64x128xf32, #tpu.memory_space<hbm>>) target(%dma_start3A_149 : memref<64x128xf32, #tpu.memory_space<vmem>>) target_semaphore(%dma_start3A_145 : memref<!tpu.dma_semaphore, #tpu.memory_space<semaphore_mem>>)
    %broadcast_in_dim3A_152 = arith.constant 3 : i32
    %broadcast_in_dim3A_153 = vector.broadcast %broadcast_in_dim3A_152 : i32 to vector<16xi32>
    %gather3A_154 = tpu.vector_load_idx %arg7[%broadcast_in_dim3A_153] : memref<512xi32, #tpu.memory_space<vmem>>[vector<16xi32>], vector<16xi32>,
    %slice3A_155 = vector.extract_strided_slice %gather3A_154 {offsets = [0], sizes = [1], strides = [1]} : vector<16xi32> to vector<1xi32>
    %squeeze3A_156 = vector.extract %slice3A_155[0] : i32 from vector<1xi32>
    %shift_right_logical3A_157 = arith.constant 7 : i32
    %shift_right_logical3A_158 = arith.shrui %squeeze3A_156, %shift_right_logical3A_157 : i32
    %mul3A_159 = arith.constant 128 : i32
    %mul3A_160 = arith.muli %shift_right_logical3A_158, %mul3A_159 : i32
    %multiple_of3A_161 = tpu.assume_multiple %mul3A_160, 128 : i32
    %dma_start3A_162 = arith.constant 3 : i32
    %dma_start3A_163 = arith.constant 3 : i32
    %dma_start3A_164 = arith.constant 0 : i32
    %dma_start3A_165 = arith.constant 0 : i32
    %dma_start3A_166 = tpu.memref_slice %arg9[%dma_start3A_162, %dma_start3A_164, %dma_start3A_165] : memref<4x64x128xf32, #tpu.memory_space<vmem>> -> memref<1x64x128xf32, #tpu.memory_space<vmem>>
    %dma_start3A_167 = tpu.memref_squeeze %dma_start3A_166 : memref<1x64x128xf32, #tpu.memory_space<vmem>> -> memref<64x128xf32, #tpu.memory_space<vmem>>
    %dma_start3A_168 = arith.constant 0 : i32
    %dma_start3A_169 = tpu.memref_slice %arg4[%dma_start3A_168, %multiple_of3A_161] : memref<64x1000000xf32, #tpu.memory_space<hbm>> -> memref<64x128xf32, #tpu.memory_space<hbm>>
    %dma_start3A_170 = tpu.memref_slice %arg12[%dma_start3A_163] : memref<4x!tpu.dma_semaphore, #tpu.memory_space<semaphore_mem>> -> memref<1x!tpu.dma_semaphore, #tpu.memory_space<semaphore_mem>>
    %dma_start3A_171 = tpu.memref_squeeze %dma_start3A_170 : memref<1x!tpu.dma_semaphore, #tpu.memory_space<semaphore_mem>> -> memref<!tpu.dma_semaphore, #tpu.memory_space<semaphore_mem>>
    %dma_start3A_172 = arith.constant 0 : i32
    %dma_start3A_173 = arith.constant 0 : i32
    %dma_start3A_174 = tpu.memref_slice %arg9[%dma_start3A_162, %dma_start3A_172, %dma_start3A_173] : memref<4x64x128xf32, #tpu.memory_space<vmem>> -> memref<1x64x128xf32, #tpu.memory_space<vmem>>
    %dma_start3A_175 = tpu.memref_squeeze %dma_start3A_174 : memref<1x64x128xf32, #tpu.memory_space<vmem>> -> memref<64x128xf32, #tpu.memory_space<vmem>>
    %dma_start3A_176 = arith.constant 0 : i32
    %dma_start3A_177 = tpu.memref_slice %arg4[%dma_start3A_176, %multiple_of3A_161] : memref<64x1000000xf32, #tpu.memory_space<hbm>> -> memref<64x128xf32, #tpu.memory_space<hbm>>
    tpu.enqueue_dma source(%dma_start3A_177 : memref<64x128xf32, #tpu.memory_space<hbm>>) target(%dma_start3A_175 : memref<64x128xf32, #tpu.memory_space<vmem>>) target_semaphore(%dma_start3A_171 : memref<!tpu.dma_semaphore, #tpu.memory_space<semaphore_mem>>)
    %broadcast_in_dim3A_178 = arith.constant 3 : i32
    %broadcast_in_dim3A_179 = vector.broadcast %broadcast_in_dim3A_178 : i32 to vector<16xi32>
    %gather3A_180 = tpu.vector_load_idx %arg8[%broadcast_in_dim3A_179] : memref<512xi32, #tpu.memory_space<vmem>>[vector<16xi32>], vector<16xi32>,
    %slice3A_181 = vector.extract_strided_slice %gather3A_180 {offsets = [0], sizes = [1], strides = [1]} : vector<16xi32> to vector<1xi32>
    %squeeze3A_182 = vector.extract %slice3A_181[0] : i32 from vector<1xi32>
    %shift_right_logical3A_183 = arith.constant 7 : i32
    %shift_right_logical3A_184 = arith.shrui %squeeze3A_182, %shift_right_logical3A_183 : i32
    %mul3A_185 = arith.constant 128 : i32
    %mul3A_186 = arith.muli %shift_right_logical3A_184, %mul3A_185 : i32
    %multiple_of3A_187 = tpu.assume_multiple %mul3A_186, 128 : i32
    %dma_start3A_188 = arith.constant 3 : i32
    %dma_start3A_189 = arith.constant 3 : i32
    %dma_start3A_190 = arith.constant 0 : i32
    %dma_start3A_191 = arith.constant 0 : i32
    %dma_start3A_192 = tpu.memref_slice %arg10[%dma_start3A_188, %dma_start3A_190, %dma_start3A_191] : memref<4x64x128xf32, #tpu.memory_space<vmem>> -> memref<1x64x128xf32, #tpu.memory_space<vmem>>
    %dma_start3A_193 = tpu.memref_squeeze %dma_start3A_192 : memref<1x64x128xf32, #tpu.memory_space<vmem>> -> memref<64x128xf32, #tpu.memory_space<vmem>>
    %dma_start3A_194 = arith.constant 0 : i32
    %dma_start3A_195 = tpu.memref_slice %arg5[%dma_start3A_194, %multiple_of3A_187] : memref<64x1000000xf32, #tpu.memory_space<hbm>> -> memref<64x128xf32, #tpu.memory_space<hbm>>
    %dma_start3A_196 = tpu.memref_slice %arg13[%dma_start3A_189] : memref<4x!tpu.dma_semaphore, #tpu.memory_space<semaphore_mem>> -> memref<1x!tpu.dma_semaphore, #tpu.memory_space<semaphore_mem>>
    %dma_start3A_197 = tpu.memref_squeeze %dma_start3A_196 : memref<1x!tpu.dma_semaphore, #tpu.memory_space<semaphore_mem>> -> memref<!tpu.dma_semaphore, #tpu.memory_space<semaphore_mem>>
    %dma_start3A_198 = arith.constant 0 : i32
    %dma_start3A_199 = arith.constant 0 : i32
    %dma_start3A_200 = tpu.memref_slice %arg10[%dma_start3A_188, %dma_start3A_198, %dma_start3A_199] : memref<4x64x128xf32, #tpu.memory_space<vmem>> -> memref<1x64x128xf32, #tpu.memory_space<vmem>>
    %dma_start3A_201 = tpu.memref_squeeze %dma_start3A_200 : memref<1x64x128xf32, #tpu.memory_space<vmem>> -> memref<64x128xf32, #tpu.memory_space<vmem>>
    %dma_start3A_202 = arith.constant 0 : i32
    %dma_start3A_203 = tpu.memref_slice %arg5[%dma_start3A_202, %multiple_of3A_187] : memref<64x1000000xf32, #tpu.memory_space<hbm>> -> memref<64x128xf32, #tpu.memory_space<hbm>>
    tpu.enqueue_dma source(%dma_start3A_203 : memref<64x128xf32, #tpu.memory_space<hbm>>) target(%dma_start3A_201 : memref<64x128xf32, #tpu.memory_space<vmem>>) target_semaphore(%dma_start3A_197 : memref<!tpu.dma_semaphore, #tpu.memory_space<semaphore_mem>>)
    %broadcast_in_dim3A_204 = arith.constant 0.000000e+00 : f32
    %broadcast_in_dim3A_205 = vector.broadcast %broadcast_in_dim3A_204 : f32 to vector<16xf32>
    %scan3A = arith.constant 0 : i32
    %scan3A_206 = arith.constant 128 : i32
    %scan3A_207 = arith.addi %scan3A, %scan3A_206 : i32
    %scan3A_208 = arith.constant 1 : i32
    %scan3A_209 = scf.for %scan3A_211 = %scan3A to %scan3A_207 step %scan3A_208 iter_args(%scan3A_212 = %broadcast_in_dim3A_205) -> (vector<16xf32>)  : i32 {
      %rem3A = arith.constant 4 : i32
      %rem3A_213 = arith.remsi %scan3A_211, %rem3A : i32
      %mul3A_214 = arith.constant 4 : i32
      %mul3A_215 = arith.muli %rem3A_213, %mul3A_214 : i32
      %mul3A_216 = arith.constant 4 : i32
      %mul3A_217 = arith.muli %scan3A_211, %mul3A_216 : i32
      %add3A_218 = arith.constant 0 : i32
      %add3A_219 = arith.addi %mul3A_217, %add3A_218 : i32
      %dma_wait3A = arith.constant 0 : i32
      %dma_wait3A_220 = arith.constant 0 : i32
      %dma_wait3A_221 = arith.constant 0 : i32
      %dma_wait3A_222 = arith.constant 0 : i32
      %dma_wait3A_223 = tpu.memref_slice %arg9[%dma_wait3A, %dma_wait3A_221, %dma_wait3A_222] : memref<4x64x128xf32, #tpu.memory_space<vmem>> -> memref<1x64x128xf32, #tpu.memory_space<vmem>>
      %dma_wait3A_224 = tpu.memref_squeeze %dma_wait3A_223 : memref<1x64x128xf32, #tpu.memory_space<vmem>> -> memref<64x128xf32, #tpu.memory_space<vmem>>
      %dma_wait3A_225 = arith.constant 0 : i32
      %dma_wait3A_226 = arith.constant 0 : i32
      %dma_wait3A_227 = tpu.memref_slice %arg4[%dma_wait3A_225, %dma_wait3A_226] : memref<64x1000000xf32, #tpu.memory_space<hbm>> -> memref<64x128xf32, #tpu.memory_space<hbm>>
      %dma_wait3A_228 = tpu.memref_slice %arg12[%dma_wait3A_220] : memref<4x!tpu.dma_semaphore, #tpu.memory_space<semaphore_mem>> -> memref<1x!tpu.dma_semaphore, #tpu.memory_space<semaphore_mem>>
      %dma_wait3A_229 = tpu.memref_squeeze %dma_wait3A_228 : memref<1x!tpu.dma_semaphore, #tpu.memory_space<semaphore_mem>> -> memref<!tpu.dma_semaphore, #tpu.memory_space<semaphore_mem>>
      %dma_wait3A_230 = arith.constant 0 : i32
      %dma_wait3A_231 = arith.constant 0 : i32
      %dma_wait3A_232 = tpu.memref_slice %arg9[%dma_wait3A, %dma_wait3A_230, %dma_wait3A_231] : memref<4x64x128xf32, #tpu.memory_space<vmem>> -> memref<1x64x128xf32, #tpu.memory_space<vmem>>
      %dma_wait3A_233 = tpu.memref_squeeze %dma_wait3A_232 : memref<1x64x128xf32, #tpu.memory_space<vmem>> -> memref<64x128xf32, #tpu.memory_space<vmem>>
      %dma_wait3A_234 = arith.constant 0 : i32
      %dma_wait3A_235 = arith.constant 0 : i32
      %dma_wait3A_236 = tpu.memref_slice %arg4[%dma_wait3A_234, %dma_wait3A_235] : memref<64x1000000xf32, #tpu.memory_space<hbm>> -> memref<64x128xf32, #tpu.memory_space<hbm>>
      tpu.wait_dma2 semaphore(%dma_wait3A_229 : memref<!tpu.dma_semaphore, #tpu.memory_space<semaphore_mem>>) src(%dma_wait3A_236 : memref<64x128xf32, #tpu.memory_space<hbm>>) dst(%dma_wait3A_233 : memref<64x128xf32, #tpu.memory_space<vmem>>)
      %dma_wait3A_237 = arith.constant 0 : i32
      %dma_wait3A_238 = arith.constant 0 : i32
      %dma_wait3A_239 = arith.constant 0 : i32
      %dma_wait3A_240 = arith.constant 0 : i32
      %dma_wait3A_241 = tpu.memref_slice %arg10[%dma_wait3A_237, %dma_wait3A_239, %dma_wait3A_240] : memref<4x64x128xf32, #tpu.memory_space<vmem>> -> memref<1x64x128xf32, #tpu.memory_space<vmem>>
      %dma_wait3A_242 = tpu.memref_squeeze %dma_wait3A_241 : memref<1x64x128xf32, #tpu.memory_space<vmem>> -> memref<64x128xf32, #tpu.memory_space<vmem>>
      %dma_wait3A_243 = arith.constant 0 : i32
      %dma_wait3A_244 = arith.constant 0 : i32
      %dma_wait3A_245 = tpu.memref_slice %arg5[%dma_wait3A_243, %dma_wait3A_244] : memref<64x1000000xf32, #tpu.memory_space<hbm>> -> memref<64x128xf32, #tpu.memory_space<hbm>>
      %dma_wait3A_246 = tpu.memref_slice %arg13[%dma_wait3A_238] : memref<4x!tpu.dma_semaphore, #tpu.memory_space<semaphore_mem>> -> memref<1x!tpu.dma_semaphore, #tpu.memory_space<semaphore_mem>>
      %dma_wait3A_247 = tpu.memref_squeeze %dma_wait3A_246 : memref<1x!tpu.dma_semaphore, #tpu.memory_space<semaphore_mem>> -> memref<!tpu.dma_semaphore, #tpu.memory_space<semaphore_mem>>
      %dma_wait3A_248 = arith.constant 0 : i32
      %dma_wait3A_249 = arith.constant 0 : i32
      %dma_wait3A_250 = tpu.memref_slice %arg10[%dma_wait3A_237, %dma_wait3A_248, %dma_wait3A_249] : memref<4x64x128xf32, #tpu.memory_space<vmem>> -> memref<1x64x128xf32, #tpu.memory_space<vmem>>
      %dma_wait3A_251 = tpu.memref_squeeze %dma_wait3A_250 : memref<1x64x128xf32, #tpu.memory_space<vmem>> -> memref<64x128xf32, #tpu.memory_space<vmem>>
      %dma_wait3A_252 = arith.constant 0 : i32
      %dma_wait3A_253 = arith.constant 0 : i32
      %dma_wait3A_254 = tpu.memref_slice %arg5[%dma_wait3A_252, %dma_wait3A_253] : memref<64x1000000xf32, #tpu.memory_space<hbm>> -> memref<64x128xf32, #tpu.memory_space<hbm>>
      tpu.wait_dma2 semaphore(%dma_wait3A_247 : memref<!tpu.dma_semaphore, #tpu.memory_space<semaphore_mem>>) src(%dma_wait3A_254 : memref<64x128xf32, #tpu.memory_space<hbm>>) dst(%dma_wait3A_251 : memref<64x128xf32, #tpu.memory_space<vmem>>)
      %broadcast_in_dim3A_255 = vector.broadcast %add3A_219 : i32 to vector<16xi32>
      %gather3A_256 = tpu.vector_load_idx %arg7[%broadcast_in_dim3A_255] : memref<512xi32, #tpu.memory_space<vmem>>[vector<16xi32>], vector<16xi32>,
      %and3A = arith.constant 127 : i32
      %and3A_257 = vector.broadcast %and3A : i32 to vector<16xi32>
      %and3A_258 = arith.andi %gather3A_256, %and3A_257 : vector<16xi32>
      %broadcast_in_dim3A_259 = vector.broadcast %add3A_219 : i32 to vector<16xi32>
      %gather3A_260 = tpu.vector_load_idx %arg8[%broadcast_in_dim3A_259] : memref<512xi32, #tpu.memory_space<vmem>>[vector<16xi32>], vector<16xi32>,
      %and3A_261 = arith.constant 127 : i32
      %and3A_262 = vector.broadcast %and3A_261 : i32 to vector<16xi32>
      %and3A_263 = arith.andi %gather3A_260, %and3A_262 : vector<16xi32>
      %broadcast_in_dim3A_264 = arith.constant 0.000000e+00 : f32
      %broadcast_in_dim3A_265 = vector.broadcast %broadcast_in_dim3A_264 : f32 to vector<16xf32>
      %add3A_266 = arith.constant 0 : i32
      %add3A_267 = vector.broadcast %add3A_266 : i32 to vector<16xi32>
      %add3A_268 = arith.addi %add3A_267, %iota3A : vector<16xi32>
      %gather3A_269 = arith.constant 0 : i32
      %gather3A_270 = arith.constant 0 : i32
      %gather3A_271 = arith.constant 0 : i32
      %gather3A_272 = tpu.memref_slice %arg9[%gather3A_269, %gather3A_270, %gather3A_271] : memref<4x64x128xf32, #tpu.memory_space<vmem>> -> memref<1x64x128xf32, #tpu.memory_space<vmem>>
      %gather3A_273 = tpu.memref_squeeze %gather3A_272 : memref<1x64x128xf32, #tpu.memory_space<vmem>> -> memref<64x128xf32, #tpu.memory_space<vmem>>
      %gather3A_274 = tpu.vector_load_idx %gather3A_273[%add3A_268, %and3A_258] : memref<64x128xf32, #tpu.memory_space<vmem>>[vector<16xi32>, vector<16xi32>], vector<16xf32>,
      %gather3A_275 = arith.constant 0 : i32
      %gather3A_276 = arith.constant 0 : i32
      %gather3A_277 = arith.constant 0 : i32
      %gather3A_278 = tpu.memref_slice %arg10[%gather3A_275, %gather3A_276, %gather3A_277] : memref<4x64x128xf32, #tpu.memory_space<vmem>> -> memref<1x64x128xf32, #tpu.memory_space<vmem>>
      %gather3A_279 = tpu.memref_squeeze %gather3A_278 : memref<1x64x128xf32, #tpu.memory_space<vmem>> -> memref<64x128xf32, #tpu.memory_space<vmem>>
      %gather3A_280 = tpu.vector_load_idx %gather3A_279[%add3A_268, %and3A_263] : memref<64x128xf32, #tpu.memory_space<vmem>>[vector<16xi32>, vector<16xi32>], vector<16xf32>,
      %mul3A_281 = arith.mulf %gather3A_274, %gather3A_280 : vector<16xf32>
      %add3A_282 = arith.addf %broadcast_in_dim3A_265, %mul3A_281 : vector<16xf32>
      %add3A_283 = arith.constant 16 : i32
      %add3A_284 = vector.broadcast %add3A_283 : i32 to vector<16xi32>
      %add3A_285 = arith.addi %add3A_284, %iota3A : vector<16xi32>
      %gather3A_286 = arith.constant 0 : i32
      %gather3A_287 = arith.constant 0 : i32
      %gather3A_288 = arith.constant 0 : i32
      %gather3A_289 = tpu.memref_slice %arg9[%gather3A_286, %gather3A_287, %gather3A_288] : memref<4x64x128xf32, #tpu.memory_space<vmem>> -> memref<1x64x128xf32, #tpu.memory_space<vmem>>
      %gather3A_290 = tpu.memref_squeeze %gather3A_289 : memref<1x64x128xf32, #tpu.memory_space<vmem>> -> memref<64x128xf32, #tpu.memory_space<vmem>>
      %gather3A_291 = tpu.vector_load_idx %gather3A_290[%add3A_285, %and3A_258] : memref<64x128xf32, #tpu.memory_space<vmem>>[vector<16xi32>, vector<16xi32>], vector<16xf32>,
      %gather3A_292 = arith.constant 0 : i32
      %gather3A_293 = arith.constant 0 : i32
      %gather3A_294 = arith.constant 0 : i32
      %gather3A_295 = tpu.memref_slice %arg10[%gather3A_292, %gather3A_293, %gather3A_294] : memref<4x64x128xf32, #tpu.memory_space<vmem>> -> memref<1x64x128xf32, #tpu.memory_space<vmem>>
      %gather3A_296 = tpu.memref_squeeze %gather3A_295 : memref<1x64x128xf32, #tpu.memory_space<vmem>> -> memref<64x128xf32, #tpu.memory_space<vmem>>
      %gather3A_297 = tpu.vector_load_idx %gather3A_296[%add3A_285, %and3A_263] : memref<64x128xf32, #tpu.memory_space<vmem>>[vector<16xi32>, vector<16xi32>], vector<16xf32>,
      %mul3A_298 = arith.mulf %gather3A_291, %gather3A_297 : vector<16xf32>
      %add3A_299 = arith.addf %add3A_282, %mul3A_298 : vector<16xf32>
      %add3A_300 = arith.constant 32 : i32
      %add3A_301 = vector.broadcast %add3A_300 : i32 to vector<16xi32>
      %add3A_302 = arith.addi %add3A_301, %iota3A : vector<16xi32>
      %gather3A_303 = arith.constant 0 : i32
      %gather3A_304 = arith.constant 0 : i32
      %gather3A_305 = arith.constant 0 : i32
      %gather3A_306 = tpu.memref_slice %arg9[%gather3A_303, %gather3A_304, %gather3A_305] : memref<4x64x128xf32, #tpu.memory_space<vmem>> -> memref<1x64x128xf32, #tpu.memory_space<vmem>>
      %gather3A_307 = tpu.memref_squeeze %gather3A_306 : memref<1x64x128xf32, #tpu.memory_space<vmem>> -> memref<64x128xf32, #tpu.memory_space<vmem>>
      %gather3A_308 = tpu.vector_load_idx %gather3A_307[%add3A_302, %and3A_258] : memref<64x128xf32, #tpu.memory_space<vmem>>[vector<16xi32>, vector<16xi32>], vector<16xf32>,
      %gather3A_309 = arith.constant 0 : i32
      %gather3A_310 = arith.constant 0 : i32
      %gather3A_311 = arith.constant 0 : i32
      %gather3A_312 = tpu.memref_slice %arg10[%gather3A_309, %gather3A_310, %gather3A_311] : memref<4x64x128xf32, #tpu.memory_space<vmem>> -> memref<1x64x128xf32, #tpu.memory_space<vmem>>
      %gather3A_313 = tpu.memref_squeeze %gather3A_312 : memref<1x64x128xf32, #tpu.memory_space<vmem>> -> memref<64x128xf32, #tpu.memory_space<vmem>>
      %gather3A_314 = tpu.vector_load_idx %gather3A_313[%add3A_302, %and3A_263] : memref<64x128xf32, #tpu.memory_space<vmem>>[vector<16xi32>, vector<16xi32>], vector<16xf32>,
      %mul3A_315 = arith.mulf %gather3A_308, %gather3A_314 : vector<16xf32>
      %add3A_316 = arith.addf %add3A_299, %mul3A_315 : vector<16xf32>
      %add3A_317 = arith.constant 48 : i32
      %add3A_318 = vector.broadcast %add3A_317 : i32 to vector<16xi32>
      %add3A_319 = arith.addi %add3A_318, %iota3A : vector<16xi32>
      %gather3A_320 = arith.constant 0 : i32
      %gather3A_321 = arith.constant 0 : i32
      %gather3A_322 = arith.constant 0 : i32
      %gather3A_323 = tpu.memref_slice %arg9[%gather3A_320, %gather3A_321, %gather3A_322] : memref<4x64x128xf32, #tpu.memory_space<vmem>> -> memref<1x64x128xf32, #tpu.memory_space<vmem>>
      %gather3A_324 = tpu.memref_squeeze %gather3A_323 : memref<1x64x128xf32, #tpu.memory_space<vmem>> -> memref<64x128xf32, #tpu.memory_space<vmem>>
      %gather3A_325 = tpu.vector_load_idx %gather3A_324[%add3A_319, %and3A_258] : memref<64x128xf32, #tpu.memory_space<vmem>>[vector<16xi32>, vector<16xi32>], vector<16xf32>,
      %gather3A_326 = arith.constant 0 : i32
      %gather3A_327 = arith.constant 0 : i32
      %gather3A_328 = arith.constant 0 : i32
      %gather3A_329 = tpu.memref_slice %arg10[%gather3A_326, %gather3A_327, %gather3A_328] : memref<4x64x128xf32, #tpu.memory_space<vmem>> -> memref<1x64x128xf32, #tpu.memory_space<vmem>>
      %gather3A_330 = tpu.memref_squeeze %gather3A_329 : memref<1x64x128xf32, #tpu.memory_space<vmem>> -> memref<64x128xf32, #tpu.memory_space<vmem>>
      %gather3A_331 = tpu.vector_load_idx %gather3A_330[%add3A_319, %and3A_263] : memref<64x128xf32, #tpu.memory_space<vmem>>[vector<16xi32>, vector<16xi32>], vector<16xf32>,
      %mul3A_332 = arith.mulf %gather3A_325, %gather3A_331 : vector<16xf32>
      %add3A_333 = arith.addf %add3A_316, %mul3A_332 : vector<16xf32>
      %add3A_334 = arith.constant 0 : i32
      %add3A_335 = arith.addi %mul3A_215, %add3A_334 : i32
      %eq3A = vector.broadcast %add3A_335 : i32 to vector<16xi32>
      %eq3A_336 = arith.cmpi eq, %iota3A, %eq3A : vector<16xi32>
      %reduce_sum3A = arith.constant true
      %reduce_sum3A_337 = vector.broadcast %reduce_sum3A : i1 to vector<16xi1>
      %reduce_sum3A_338 = tpu.scan <sum>, %add3A_333 masked %reduce_sum3A_337 : vector<16xf32>, vector<16xi1> -> vector<16xf32>
      %reduce_sum3A_339 = vector.extract %reduce_sum3A_338[15] : f32 from vector<16xf32>
      %broadcast_in_dim3A_340 = vector.broadcast %reduce_sum3A_339 : f32 to vector<16xf32>
      %select_n3A = arith.select %eq3A_336, %broadcast_in_dim3A_340, %scan3A_212 : vector<16xi1>, vector<16xf32>
      %add3A_341 = arith.constant 4 : i32
      %add3A_342 = arith.addi %add3A_219, %add3A_341 : i32
      %lt3A = arith.constant 512 : i32
      %lt3A_343 = arith.cmpi slt, %add3A_342, %lt3A : i32
      %convert_element_type3A = arith.extui %lt3A_343 : i1 to i32
      %cond3A = arith.constant 0 : i32
      %cond3A_344 = arith.cmpi ne, %convert_element_type3A, %cond3A : i32
      scf.if %cond3A_344 {
        %broadcast_in_dim3A_763 = vector.broadcast %add3A_342 : i32 to vector<16xi32>
        %gather3A_764 = tpu.vector_load_idx %arg7[%broadcast_in_dim3A_763] : memref<512xi32, #tpu.memory_space<vmem>>[vector<16xi32>], vector<16xi32>,
        %slice3A_765 = vector.extract_strided_slice %gather3A_764 {offsets = [0], sizes = [1], strides = [1]} : vector<16xi32> to vector<1xi32>
        %squeeze3A_766 = vector.extract %slice3A_765[0] : i32 from vector<1xi32>
        %shift_right_logical3A_767 = arith.constant 7 : i32
        %shift_right_logical3A_768 = arith.shrui %squeeze3A_766, %shift_right_logical3A_767 : i32
        %mul3A_769 = arith.constant 128 : i32
        %mul3A_770 = arith.muli %shift_right_logical3A_768, %mul3A_769 : i32
        %multiple_of3A_771 = tpu.assume_multiple %mul3A_770, 128 : i32
        %dma_start3A_772 = arith.constant 0 : i32
        %dma_start3A_773 = arith.constant 0 : i32
        %dma_start3A_774 = arith.constant 0 : i32
        %dma_start3A_775 = arith.constant 0 : i32
        %dma_start3A_776 = tpu.memref_slice %arg9[%dma_start3A_772, %dma_start3A_774, %dma_start3A_775] : memref<4x64x128xf32, #tpu.memory_space<vmem>> -> memref<1x64x128xf32, #tpu.memory_space<vmem>>
        %dma_start3A_777 = tpu.memref_squeeze %dma_start3A_776 : memref<1x64x128xf32, #tpu.memory_space<vmem>> -> memref<64x128xf32, #tpu.memory_space<vmem>>
        %dma_start3A_778 = arith.constant 0 : i32
        %dma_start3A_779 = tpu.memref_slice %arg4[%dma_start3A_778, %multiple_of3A_771] : memref<64x1000000xf32, #tpu.memory_space<hbm>> -> memref<64x128xf32, #tpu.memory_space<hbm>>
        %dma_start3A_780 = tpu.memref_slice %arg12[%dma_start3A_773] : memref<4x!tpu.dma_semaphore, #tpu.memory_space<semaphore_mem>> -> memref<1x!tpu.dma_semaphore, #tpu.memory_space<semaphore_mem>>
        %dma_start3A_781 = tpu.memref_squeeze %dma_start3A_780 : memref<1x!tpu.dma_semaphore, #tpu.memory_space<semaphore_mem>> -> memref<!tpu.dma_semaphore, #tpu.memory_space<semaphore_mem>>
        %dma_start3A_782 = arith.constant 0 : i32
        %dma_start3A_783 = arith.constant 0 : i32
        %dma_start3A_784 = tpu.memref_slice %arg9[%dma_start3A_772, %dma_start3A_782, %dma_start3A_783] : memref<4x64x128xf32, #tpu.memory_space<vmem>> -> memref<1x64x128xf32, #tpu.memory_space<vmem>>
        %dma_start3A_785 = tpu.memref_squeeze %dma_start3A_784 : memref<1x64x128xf32, #tpu.memory_space<vmem>> -> memref<64x128xf32, #tpu.memory_space<vmem>>
        %dma_start3A_786 = arith.constant 0 : i32
        %dma_start3A_787 = tpu.memref_slice %arg4[%dma_start3A_786, %multiple_of3A_771] : memref<64x1000000xf32, #tpu.memory_space<hbm>> -> memref<64x128xf32, #tpu.memory_space<hbm>>
        tpu.enqueue_dma source(%dma_start3A_787 : memref<64x128xf32, #tpu.memory_space<hbm>>) target(%dma_start3A_785 : memref<64x128xf32, #tpu.memory_space<vmem>>) target_semaphore(%dma_start3A_781 : memref<!tpu.dma_semaphore, #tpu.memory_space<semaphore_mem>>)
        %broadcast_in_dim3A_788 = vector.broadcast %add3A_342 : i32 to vector<16xi32>
        %gather3A_789 = tpu.vector_load_idx %arg8[%broadcast_in_dim3A_788] : memref<512xi32, #tpu.memory_space<vmem>>[vector<16xi32>], vector<16xi32>,
        %slice3A_790 = vector.extract_strided_slice %gather3A_789 {offsets = [0], sizes = [1], strides = [1]} : vector<16xi32> to vector<1xi32>
        %squeeze3A_791 = vector.extract %slice3A_790[0] : i32 from vector<1xi32>
        %shift_right_logical3A_792 = arith.constant 7 : i32
        %shift_right_logical3A_793 = arith.shrui %squeeze3A_791, %shift_right_logical3A_792 : i32
        %mul3A_794 = arith.constant 128 : i32
        %mul3A_795 = arith.muli %shift_right_logical3A_793, %mul3A_794 : i32
        %multiple_of3A_796 = tpu.assume_multiple %mul3A_795, 128 : i32
        %dma_start3A_797 = arith.constant 0 : i32
        %dma_start3A_798 = arith.constant 0 : i32
        %dma_start3A_799 = arith.constant 0 : i32
        %dma_start3A_800 = arith.constant 0 : i32
        %dma_start3A_801 = tpu.memref_slice %arg10[%dma_start3A_797, %dma_start3A_799, %dma_start3A_800] : memref<4x64x128xf32, #tpu.memory_space<vmem>> -> memref<1x64x128xf32, #tpu.memory_space<vmem>>
        %dma_start3A_802 = tpu.memref_squeeze %dma_start3A_801 : memref<1x64x128xf32, #tpu.memory_space<vmem>> -> memref<64x128xf32, #tpu.memory_space<vmem>>
        %dma_start3A_803 = arith.constant 0 : i32
        %dma_start3A_804 = tpu.memref_slice %arg5[%dma_start3A_803, %multiple_of3A_796] : memref<64x1000000xf32, #tpu.memory_space<hbm>> -> memref<64x128xf32, #tpu.memory_space<hbm>>
        %dma_start3A_805 = tpu.memref_slice %arg13[%dma_start3A_798] : memref<4x!tpu.dma_semaphore, #tpu.memory_space<semaphore_mem>> -> memref<1x!tpu.dma_semaphore, #tpu.memory_space<semaphore_mem>>
        %dma_start3A_806 = tpu.memref_squeeze %dma_start3A_805 : memref<1x!tpu.dma_semaphore, #tpu.memory_space<semaphore_mem>> -> memref<!tpu.dma_semaphore, #tpu.memory_space<semaphore_mem>>
        %dma_start3A_807 = arith.constant 0 : i32
        %dma_start3A_808 = arith.constant 0 : i32
        %dma_start3A_809 = tpu.memref_slice %arg10[%dma_start3A_797, %dma_start3A_807, %dma_start3A_808] : memref<4x64x128xf32, #tpu.memory_space<vmem>> -> memref<1x64x128xf32, #tpu.memory_space<vmem>>
        %dma_start3A_810 = tpu.memref_squeeze %dma_start3A_809 : memref<1x64x128xf32, #tpu.memory_space<vmem>> -> memref<64x128xf32, #tpu.memory_space<vmem>>
        %dma_start3A_811 = arith.constant 0 : i32
        %dma_start3A_812 = tpu.memref_slice %arg5[%dma_start3A_811, %multiple_of3A_796] : memref<64x1000000xf32, #tpu.memory_space<hbm>> -> memref<64x128xf32, #tpu.memory_space<hbm>>
        tpu.enqueue_dma source(%dma_start3A_812 : memref<64x128xf32, #tpu.memory_space<hbm>>) target(%dma_start3A_810 : memref<64x128xf32, #tpu.memory_space<vmem>>) target_semaphore(%dma_start3A_806 : memref<!tpu.dma_semaphore, #tpu.memory_space<semaphore_mem>>)
      } else {
      }
      %mul3A_345 = arith.constant 4 : i32
      %mul3A_346 = arith.muli %scan3A_211, %mul3A_345 : i32
      %add3A_347 = arith.constant 1 : i32
      %add3A_348 = arith.addi %mul3A_346, %add3A_347 : i32
      %dma_wait3A_349 = arith.constant 1 : i32
      %dma_wait3A_350 = arith.constant 1 : i32
      %dma_wait3A_351 = arith.constant 0 : i32
      %dma_wait3A_352 = arith.constant 0 : i32
      %dma_wait3A_353 = tpu.memref_slice %arg9[%dma_wait3A_349, %dma_wait3A_351, %dma_wait3A_352] : memref<4x64x128xf32, #tpu.memory_space<vmem>> -> memref<1x64x128xf32, #tpu.memory_space<vmem>>
      %dma_wait3A_354 = tpu.memref_squeeze %dma_wait3A_353 : memref<1x64x128xf32, #tpu.memory_space<vmem>> -> memref<64x128xf32, #tpu.memory_space<vmem>>
      %dma_wait3A_355 = arith.constant 0 : i32
      %dma_wait3A_356 = arith.constant 0 : i32
      %dma_wait3A_357 = tpu.memref_slice %arg4[%dma_wait3A_355, %dma_wait3A_356] : memref<64x1000000xf32, #tpu.memory_space<hbm>> -> memref<64x128xf32, #tpu.memory_space<hbm>>
      %dma_wait3A_358 = tpu.memref_slice %arg12[%dma_wait3A_350] : memref<4x!tpu.dma_semaphore, #tpu.memory_space<semaphore_mem>> -> memref<1x!tpu.dma_semaphore, #tpu.memory_space<semaphore_mem>>
      %dma_wait3A_359 = tpu.memref_squeeze %dma_wait3A_358 : memref<1x!tpu.dma_semaphore, #tpu.memory_space<semaphore_mem>> -> memref<!tpu.dma_semaphore, #tpu.memory_space<semaphore_mem>>
      %dma_wait3A_360 = arith.constant 0 : i32
      %dma_wait3A_361 = arith.constant 0 : i32
      %dma_wait3A_362 = tpu.memref_slice %arg9[%dma_wait3A_349, %dma_wait3A_360, %dma_wait3A_361] : memref<4x64x128xf32, #tpu.memory_space<vmem>> -> memref<1x64x128xf32, #tpu.memory_space<vmem>>
      %dma_wait3A_363 = tpu.memref_squeeze %dma_wait3A_362 : memref<1x64x128xf32, #tpu.memory_space<vmem>> -> memref<64x128xf32, #tpu.memory_space<vmem>>
      %dma_wait3A_364 = arith.constant 0 : i32
      %dma_wait3A_365 = arith.constant 0 : i32
      %dma_wait3A_366 = tpu.memref_slice %arg4[%dma_wait3A_364, %dma_wait3A_365] : memref<64x1000000xf32, #tpu.memory_space<hbm>> -> memref<64x128xf32, #tpu.memory_space<hbm>>
      tpu.wait_dma2 semaphore(%dma_wait3A_359 : memref<!tpu.dma_semaphore, #tpu.memory_space<semaphore_mem>>) src(%dma_wait3A_366 : memref<64x128xf32, #tpu.memory_space<hbm>>) dst(%dma_wait3A_363 : memref<64x128xf32, #tpu.memory_space<vmem>>)
      %dma_wait3A_367 = arith.constant 1 : i32
      %dma_wait3A_368 = arith.constant 1 : i32
      %dma_wait3A_369 = arith.constant 0 : i32
      %dma_wait3A_370 = arith.constant 0 : i32
      %dma_wait3A_371 = tpu.memref_slice %arg10[%dma_wait3A_367, %dma_wait3A_369, %dma_wait3A_370] : memref<4x64x128xf32, #tpu.memory_space<vmem>> -> memref<1x64x128xf32, #tpu.memory_space<vmem>>
      %dma_wait3A_372 = tpu.memref_squeeze %dma_wait3A_371 : memref<1x64x128xf32, #tpu.memory_space<vmem>> -> memref<64x128xf32, #tpu.memory_space<vmem>>
      %dma_wait3A_373 = arith.constant 0 : i32
      %dma_wait3A_374 = arith.constant 0 : i32
      %dma_wait3A_375 = tpu.memref_slice %arg5[%dma_wait3A_373, %dma_wait3A_374] : memref<64x1000000xf32, #tpu.memory_space<hbm>> -> memref<64x128xf32, #tpu.memory_space<hbm>>
      %dma_wait3A_376 = tpu.memref_slice %arg13[%dma_wait3A_368] : memref<4x!tpu.dma_semaphore, #tpu.memory_space<semaphore_mem>> -> memref<1x!tpu.dma_semaphore, #tpu.memory_space<semaphore_mem>>
      %dma_wait3A_377 = tpu.memref_squeeze %dma_wait3A_376 : memref<1x!tpu.dma_semaphore, #tpu.memory_space<semaphore_mem>> -> memref<!tpu.dma_semaphore, #tpu.memory_space<semaphore_mem>>
      %dma_wait3A_378 = arith.constant 0 : i32
      %dma_wait3A_379 = arith.constant 0 : i32
      %dma_wait3A_380 = tpu.memref_slice %arg10[%dma_wait3A_367, %dma_wait3A_378, %dma_wait3A_379] : memref<4x64x128xf32, #tpu.memory_space<vmem>> -> memref<1x64x128xf32, #tpu.memory_space<vmem>>
      %dma_wait3A_381 = tpu.memref_squeeze %dma_wait3A_380 : memref<1x64x128xf32, #tpu.memory_space<vmem>> -> memref<64x128xf32, #tpu.memory_space<vmem>>
      %dma_wait3A_382 = arith.constant 0 : i32
      %dma_wait3A_383 = arith.constant 0 : i32
      %dma_wait3A_384 = tpu.memref_slice %arg5[%dma_wait3A_382, %dma_wait3A_383] : memref<64x1000000xf32, #tpu.memory_space<hbm>> -> memref<64x128xf32, #tpu.memory_space<hbm>>
      tpu.wait_dma2 semaphore(%dma_wait3A_377 : memref<!tpu.dma_semaphore, #tpu.memory_space<semaphore_mem>>) src(%dma_wait3A_384 : memref<64x128xf32, #tpu.memory_space<hbm>>) dst(%dma_wait3A_381 : memref<64x128xf32, #tpu.memory_space<vmem>>)
      %broadcast_in_dim3A_385 = vector.broadcast %add3A_348 : i32 to vector<16xi32>
      %gather3A_386 = tpu.vector_load_idx %arg7[%broadcast_in_dim3A_385] : memref<512xi32, #tpu.memory_space<vmem>>[vector<16xi32>], vector<16xi32>,
      %and3A_387 = arith.constant 127 : i32
      %and3A_388 = vector.broadcast %and3A_387 : i32 to vector<16xi32>
      %and3A_389 = arith.andi %gather3A_386, %and3A_388 : vector<16xi32>
      %broadcast_in_dim3A_390 = vector.broadcast %add3A_348 : i32 to vector<16xi32>
      %gather3A_391 = tpu.vector_load_idx %arg8[%broadcast_in_dim3A_390] : memref<512xi32, #tpu.memory_space<vmem>>[vector<16xi32>], vector<16xi32>,
      %and3A_392 = arith.constant 127 : i32
      %and3A_393 = vector.broadcast %and3A_392 : i32 to vector<16xi32>
      %and3A_394 = arith.andi %gather3A_391, %and3A_393 : vector<16xi32>
      %broadcast_in_dim3A_395 = arith.constant 0.000000e+00 : f32
      %broadcast_in_dim3A_396 = vector.broadcast %broadcast_in_dim3A_395 : f32 to vector<16xf32>
      %add3A_397 = arith.constant 0 : i32
      %add3A_398 = vector.broadcast %add3A_397 : i32 to vector<16xi32>
      %add3A_399 = arith.addi %add3A_398, %iota3A : vector<16xi32>
      %gather3A_400 = arith.constant 1 : i32
      %gather3A_401 = arith.constant 0 : i32
      %gather3A_402 = arith.constant 0 : i32
      %gather3A_403 = tpu.memref_slice %arg9[%gather3A_400, %gather3A_401, %gather3A_402] : memref<4x64x128xf32, #tpu.memory_space<vmem>> -> memref<1x64x128xf32, #tpu.memory_space<vmem>>
      %gather3A_404 = tpu.memref_squeeze %gather3A_403 : memref<1x64x128xf32, #tpu.memory_space<vmem>> -> memref<64x128xf32, #tpu.memory_space<vmem>>
      %gather3A_405 = tpu.vector_load_idx %gather3A_404[%add3A_399, %and3A_389] : memref<64x128xf32, #tpu.memory_space<vmem>>[vector<16xi32>, vector<16xi32>], vector<16xf32>,
      %gather3A_406 = arith.constant 1 : i32
      %gather3A_407 = arith.constant 0 : i32
      %gather3A_408 = arith.constant 0 : i32
      %gather3A_409 = tpu.memref_slice %arg10[%gather3A_406, %gather3A_407, %gather3A_408] : memref<4x64x128xf32, #tpu.memory_space<vmem>> -> memref<1x64x128xf32, #tpu.memory_space<vmem>>
      %gather3A_410 = tpu.memref_squeeze %gather3A_409 : memref<1x64x128xf32, #tpu.memory_space<vmem>> -> memref<64x128xf32, #tpu.memory_space<vmem>>
      %gather3A_411 = tpu.vector_load_idx %gather3A_410[%add3A_399, %and3A_394] : memref<64x128xf32, #tpu.memory_space<vmem>>[vector<16xi32>, vector<16xi32>], vector<16xf32>,
      %mul3A_412 = arith.mulf %gather3A_405, %gather3A_411 : vector<16xf32>
      %add3A_413 = arith.addf %broadcast_in_dim3A_396, %mul3A_412 : vector<16xf32>
      %add3A_414 = arith.constant 16 : i32
      %add3A_415 = vector.broadcast %add3A_414 : i32 to vector<16xi32>
      %add3A_416 = arith.addi %add3A_415, %iota3A : vector<16xi32>
      %gather3A_417 = arith.constant 1 : i32
      %gather3A_418 = arith.constant 0 : i32
      %gather3A_419 = arith.constant 0 : i32
      %gather3A_420 = tpu.memref_slice %arg9[%gather3A_417, %gather3A_418, %gather3A_419] : memref<4x64x128xf32, #tpu.memory_space<vmem>> -> memref<1x64x128xf32, #tpu.memory_space<vmem>>
      %gather3A_421 = tpu.memref_squeeze %gather3A_420 : memref<1x64x128xf32, #tpu.memory_space<vmem>> -> memref<64x128xf32, #tpu.memory_space<vmem>>
      %gather3A_422 = tpu.vector_load_idx %gather3A_421[%add3A_416, %and3A_389] : memref<64x128xf32, #tpu.memory_space<vmem>>[vector<16xi32>, vector<16xi32>], vector<16xf32>,
      %gather3A_423 = arith.constant 1 : i32
      %gather3A_424 = arith.constant 0 : i32
      %gather3A_425 = arith.constant 0 : i32
      %gather3A_426 = tpu.memref_slice %arg10[%gather3A_423, %gather3A_424, %gather3A_425] : memref<4x64x128xf32, #tpu.memory_space<vmem>> -> memref<1x64x128xf32, #tpu.memory_space<vmem>>
      %gather3A_427 = tpu.memref_squeeze %gather3A_426 : memref<1x64x128xf32, #tpu.memory_space<vmem>> -> memref<64x128xf32, #tpu.memory_space<vmem>>
      %gather3A_428 = tpu.vector_load_idx %gather3A_427[%add3A_416, %and3A_394] : memref<64x128xf32, #tpu.memory_space<vmem>>[vector<16xi32>, vector<16xi32>], vector<16xf32>,
      %mul3A_429 = arith.mulf %gather3A_422, %gather3A_428 : vector<16xf32>
      %add3A_430 = arith.addf %add3A_413, %mul3A_429 : vector<16xf32>
      %add3A_431 = arith.constant 32 : i32
      %add3A_432 = vector.broadcast %add3A_431 : i32 to vector<16xi32>
      %add3A_433 = arith.addi %add3A_432, %iota3A : vector<16xi32>
      %gather3A_434 = arith.constant 1 : i32
      %gather3A_435 = arith.constant 0 : i32
      %gather3A_436 = arith.constant 0 : i32
      %gather3A_437 = tpu.memref_slice %arg9[%gather3A_434, %gather3A_435, %gather3A_436] : memref<4x64x128xf32, #tpu.memory_space<vmem>> -> memref<1x64x128xf32, #tpu.memory_space<vmem>>
      %gather3A_438 = tpu.memref_squeeze %gather3A_437 : memref<1x64x128xf32, #tpu.memory_space<vmem>> -> memref<64x128xf32, #tpu.memory_space<vmem>>
      %gather3A_439 = tpu.vector_load_idx %gather3A_438[%add3A_433, %and3A_389] : memref<64x128xf32, #tpu.memory_space<vmem>>[vector<16xi32>, vector<16xi32>], vector<16xf32>,
      %gather3A_440 = arith.constant 1 : i32
      %gather3A_441 = arith.constant 0 : i32
      %gather3A_442 = arith.constant 0 : i32
      %gather3A_443 = tpu.memref_slice %arg10[%gather3A_440, %gather3A_441, %gather3A_442] : memref<4x64x128xf32, #tpu.memory_space<vmem>> -> memref<1x64x128xf32, #tpu.memory_space<vmem>>
      %gather3A_444 = tpu.memref_squeeze %gather3A_443 : memref<1x64x128xf32, #tpu.memory_space<vmem>> -> memref<64x128xf32, #tpu.memory_space<vmem>>
      %gather3A_445 = tpu.vector_load_idx %gather3A_444[%add3A_433, %and3A_394] : memref<64x128xf32, #tpu.memory_space<vmem>>[vector<16xi32>, vector<16xi32>], vector<16xf32>,
      %mul3A_446 = arith.mulf %gather3A_439, %gather3A_445 : vector<16xf32>
      %add3A_447 = arith.addf %add3A_430, %mul3A_446 : vector<16xf32>
      %add3A_448 = arith.constant 48 : i32
      %add3A_449 = vector.broadcast %add3A_448 : i32 to vector<16xi32>
      %add3A_450 = arith.addi %add3A_449, %iota3A : vector<16xi32>
      %gather3A_451 = arith.constant 1 : i32
      %gather3A_452 = arith.constant 0 : i32
      %gather3A_453 = arith.constant 0 : i32
      %gather3A_454 = tpu.memref_slice %arg9[%gather3A_451, %gather3A_452, %gather3A_453] : memref<4x64x128xf32, #tpu.memory_space<vmem>> -> memref<1x64x128xf32, #tpu.memory_space<vmem>>
      %gather3A_455 = tpu.memref_squeeze %gather3A_454 : memref<1x64x128xf32, #tpu.memory_space<vmem>> -> memref<64x128xf32, #tpu.memory_space<vmem>>
      %gather3A_456 = tpu.vector_load_idx %gather3A_455[%add3A_450, %and3A_389] : memref<64x128xf32, #tpu.memory_space<vmem>>[vector<16xi32>, vector<16xi32>], vector<16xf32>,
      %gather3A_457 = arith.constant 1 : i32
      %gather3A_458 = arith.constant 0 : i32
      %gather3A_459 = arith.constant 0 : i32
      %gather3A_460 = tpu.memref_slice %arg10[%gather3A_457, %gather3A_458, %gather3A_459] : memref<4x64x128xf32, #tpu.memory_space<vmem>> -> memref<1x64x128xf32, #tpu.memory_space<vmem>>
      %gather3A_461 = tpu.memref_squeeze %gather3A_460 : memref<1x64x128xf32, #tpu.memory_space<vmem>> -> memref<64x128xf32, #tpu.memory_space<vmem>>
      %gather3A_462 = tpu.vector_load_idx %gather3A_461[%add3A_450, %and3A_394] : memref<64x128xf32, #tpu.memory_space<vmem>>[vector<16xi32>, vector<16xi32>], vector<16xf32>,
      %mul3A_463 = arith.mulf %gather3A_456, %gather3A_462 : vector<16xf32>
      %add3A_464 = arith.addf %add3A_447, %mul3A_463 : vector<16xf32>
      %add3A_465 = arith.constant 1 : i32
      %add3A_466 = arith.addi %mul3A_215, %add3A_465 : i32
      %eq3A_467 = vector.broadcast %add3A_466 : i32 to vector<16xi32>
      %eq3A_468 = arith.cmpi eq, %iota3A, %eq3A_467 : vector<16xi32>
      %reduce_sum3A_469 = arith.constant true
      %reduce_sum3A_470 = vector.broadcast %reduce_sum3A_469 : i1 to vector<16xi1>
      %reduce_sum3A_471 = tpu.scan <sum>, %add3A_464 masked %reduce_sum3A_470 : vector<16xf32>, vector<16xi1> -> vector<16xf32>
      %reduce_sum3A_472 = vector.extract %reduce_sum3A_471[15] : f32 from vector<16xf32>
      %broadcast_in_dim3A_473 = vector.broadcast %reduce_sum3A_472 : f32 to vector<16xf32>
      %select_n3A_474 = arith.select %eq3A_468, %broadcast_in_dim3A_473, %select_n3A : vector<16xi1>, vector<16xf32>
      %add3A_475 = arith.constant 4 : i32
      %add3A_476 = arith.addi %add3A_348, %add3A_475 : i32
      %lt3A_477 = arith.constant 512 : i32
      %lt3A_478 = arith.cmpi slt, %add3A_476, %lt3A_477 : i32
      %convert_element_type3A_479 = arith.extui %lt3A_478 : i1 to i32
      %cond3A_480 = arith.constant 0 : i32
      %cond3A_481 = arith.cmpi ne, %convert_element_type3A_479, %cond3A_480 : i32
      scf.if %cond3A_481 {
        %broadcast_in_dim3A_763 = vector.broadcast %add3A_476 : i32 to vector<16xi32>
        %gather3A_764 = tpu.vector_load_idx %arg7[%broadcast_in_dim3A_763] : memref<512xi32, #tpu.memory_space<vmem>>[vector<16xi32>], vector<16xi32>,
        %slice3A_765 = vector.extract_strided_slice %gather3A_764 {offsets = [0], sizes = [1], strides = [1]} : vector<16xi32> to vector<1xi32>
        %squeeze3A_766 = vector.extract %slice3A_765[0] : i32 from vector<1xi32>
        %shift_right_logical3A_767 = arith.constant 7 : i32
        %shift_right_logical3A_768 = arith.shrui %squeeze3A_766, %shift_right_logical3A_767 : i32
        %mul3A_769 = arith.constant 128 : i32
        %mul3A_770 = arith.muli %shift_right_logical3A_768, %mul3A_769 : i32
        %multiple_of3A_771 = tpu.assume_multiple %mul3A_770, 128 : i32
        %dma_start3A_772 = arith.constant 1 : i32
        %dma_start3A_773 = arith.constant 1 : i32
        %dma_start3A_774 = arith.constant 0 : i32
        %dma_start3A_775 = arith.constant 0 : i32
        %dma_start3A_776 = tpu.memref_slice %arg9[%dma_start3A_772, %dma_start3A_774, %dma_start3A_775] : memref<4x64x128xf32, #tpu.memory_space<vmem>> -> memref<1x64x128xf32, #tpu.memory_space<vmem>>
        %dma_start3A_777 = tpu.memref_squeeze %dma_start3A_776 : memref<1x64x128xf32, #tpu.memory_space<vmem>> -> memref<64x128xf32, #tpu.memory_space<vmem>>
        %dma_start3A_778 = arith.constant 0 : i32
        %dma_start3A_779 = tpu.memref_slice %arg4[%dma_start3A_778, %multiple_of3A_771] : memref<64x1000000xf32, #tpu.memory_space<hbm>> -> memref<64x128xf32, #tpu.memory_space<hbm>>
        %dma_start3A_780 = tpu.memref_slice %arg12[%dma_start3A_773] : memref<4x!tpu.dma_semaphore, #tpu.memory_space<semaphore_mem>> -> memref<1x!tpu.dma_semaphore, #tpu.memory_space<semaphore_mem>>
        %dma_start3A_781 = tpu.memref_squeeze %dma_start3A_780 : memref<1x!tpu.dma_semaphore, #tpu.memory_space<semaphore_mem>> -> memref<!tpu.dma_semaphore, #tpu.memory_space<semaphore_mem>>
        %dma_start3A_782 = arith.constant 0 : i32
        %dma_start3A_783 = arith.constant 0 : i32
        %dma_start3A_784 = tpu.memref_slice %arg9[%dma_start3A_772, %dma_start3A_782, %dma_start3A_783] : memref<4x64x128xf32, #tpu.memory_space<vmem>> -> memref<1x64x128xf32, #tpu.memory_space<vmem>>
        %dma_start3A_785 = tpu.memref_squeeze %dma_start3A_784 : memref<1x64x128xf32, #tpu.memory_space<vmem>> -> memref<64x128xf32, #tpu.memory_space<vmem>>
        %dma_start3A_786 = arith.constant 0 : i32
        %dma_start3A_787 = tpu.memref_slice %arg4[%dma_start3A_786, %multiple_of3A_771] : memref<64x1000000xf32, #tpu.memory_space<hbm>> -> memref<64x128xf32, #tpu.memory_space<hbm>>
        tpu.enqueue_dma source(%dma_start3A_787 : memref<64x128xf32, #tpu.memory_space<hbm>>) target(%dma_start3A_785 : memref<64x128xf32, #tpu.memory_space<vmem>>) target_semaphore(%dma_start3A_781 : memref<!tpu.dma_semaphore, #tpu.memory_space<semaphore_mem>>)
        %broadcast_in_dim3A_788 = vector.broadcast %add3A_476 : i32 to vector<16xi32>
        %gather3A_789 = tpu.vector_load_idx %arg8[%broadcast_in_dim3A_788] : memref<512xi32, #tpu.memory_space<vmem>>[vector<16xi32>], vector<16xi32>,
        %slice3A_790 = vector.extract_strided_slice %gather3A_789 {offsets = [0], sizes = [1], strides = [1]} : vector<16xi32> to vector<1xi32>
        %squeeze3A_791 = vector.extract %slice3A_790[0] : i32 from vector<1xi32>
        %shift_right_logical3A_792 = arith.constant 7 : i32
        %shift_right_logical3A_793 = arith.shrui %squeeze3A_791, %shift_right_logical3A_792 : i32
        %mul3A_794 = arith.constant 128 : i32
        %mul3A_795 = arith.muli %shift_right_logical3A_793, %mul3A_794 : i32
        %multiple_of3A_796 = tpu.assume_multiple %mul3A_795, 128 : i32
        %dma_start3A_797 = arith.constant 1 : i32
        %dma_start3A_798 = arith.constant 1 : i32
        %dma_start3A_799 = arith.constant 0 : i32
        %dma_start3A_800 = arith.constant 0 : i32
        %dma_start3A_801 = tpu.memref_slice %arg10[%dma_start3A_797, %dma_start3A_799, %dma_start3A_800] : memref<4x64x128xf32, #tpu.memory_space<vmem>> -> memref<1x64x128xf32, #tpu.memory_space<vmem>>
        %dma_start3A_802 = tpu.memref_squeeze %dma_start3A_801 : memref<1x64x128xf32, #tpu.memory_space<vmem>> -> memref<64x128xf32, #tpu.memory_space<vmem>>
        %dma_start3A_803 = arith.constant 0 : i32
        %dma_start3A_804 = tpu.memref_slice %arg5[%dma_start3A_803, %multiple_of3A_796] : memref<64x1000000xf32, #tpu.memory_space<hbm>> -> memref<64x128xf32, #tpu.memory_space<hbm>>
        %dma_start3A_805 = tpu.memref_slice %arg13[%dma_start3A_798] : memref<4x!tpu.dma_semaphore, #tpu.memory_space<semaphore_mem>> -> memref<1x!tpu.dma_semaphore, #tpu.memory_space<semaphore_mem>>
        %dma_start3A_806 = tpu.memref_squeeze %dma_start3A_805 : memref<1x!tpu.dma_semaphore, #tpu.memory_space<semaphore_mem>> -> memref<!tpu.dma_semaphore, #tpu.memory_space<semaphore_mem>>
        %dma_start3A_807 = arith.constant 0 : i32
        %dma_start3A_808 = arith.constant 0 : i32
        %dma_start3A_809 = tpu.memref_slice %arg10[%dma_start3A_797, %dma_start3A_807, %dma_start3A_808] : memref<4x64x128xf32, #tpu.memory_space<vmem>> -> memref<1x64x128xf32, #tpu.memory_space<vmem>>
        %dma_start3A_810 = tpu.memref_squeeze %dma_start3A_809 : memref<1x64x128xf32, #tpu.memory_space<vmem>> -> memref<64x128xf32, #tpu.memory_space<vmem>>
        %dma_start3A_811 = arith.constant 0 : i32
        %dma_start3A_812 = tpu.memref_slice %arg5[%dma_start3A_811, %multiple_of3A_796] : memref<64x1000000xf32, #tpu.memory_space<hbm>> -> memref<64x128xf32, #tpu.memory_space<hbm>>
        tpu.enqueue_dma source(%dma_start3A_812 : memref<64x128xf32, #tpu.memory_space<hbm>>) target(%dma_start3A_810 : memref<64x128xf32, #tpu.memory_space<vmem>>) target_semaphore(%dma_start3A_806 : memref<!tpu.dma_semaphore, #tpu.memory_space<semaphore_mem>>)
      } else {
      }
      %mul3A_482 = arith.constant 4 : i32
      %mul3A_483 = arith.muli %scan3A_211, %mul3A_482 : i32
      %add3A_484 = arith.constant 2 : i32
      %add3A_485 = arith.addi %mul3A_483, %add3A_484 : i32
      %dma_wait3A_486 = arith.constant 2 : i32
      %dma_wait3A_487 = arith.constant 2 : i32
      %dma_wait3A_488 = arith.constant 0 : i32
      %dma_wait3A_489 = arith.constant 0 : i32
      %dma_wait3A_490 = tpu.memref_slice %arg9[%dma_wait3A_486, %dma_wait3A_488, %dma_wait3A_489] : memref<4x64x128xf32, #tpu.memory_space<vmem>> -> memref<1x64x128xf32, #tpu.memory_space<vmem>>
      %dma_wait3A_491 = tpu.memref_squeeze %dma_wait3A_490 : memref<1x64x128xf32, #tpu.memory_space<vmem>> -> memref<64x128xf32, #tpu.memory_space<vmem>>
      %dma_wait3A_492 = arith.constant 0 : i32
      %dma_wait3A_493 = arith.constant 0 : i32
      %dma_wait3A_494 = tpu.memref_slice %arg4[%dma_wait3A_492, %dma_wait3A_493] : memref<64x1000000xf32, #tpu.memory_space<hbm>> -> memref<64x128xf32, #tpu.memory_space<hbm>>
      %dma_wait3A_495 = tpu.memref_slice %arg12[%dma_wait3A_487] : memref<4x!tpu.dma_semaphore, #tpu.memory_space<semaphore_mem>> -> memref<1x!tpu.dma_semaphore, #tpu.memory_space<semaphore_mem>>
      %dma_wait3A_496 = tpu.memref_squeeze %dma_wait3A_495 : memref<1x!tpu.dma_semaphore, #tpu.memory_space<semaphore_mem>> -> memref<!tpu.dma_semaphore, #tpu.memory_space<semaphore_mem>>
      %dma_wait3A_497 = arith.constant 0 : i32
      %dma_wait3A_498 = arith.constant 0 : i32
      %dma_wait3A_499 = tpu.memref_slice %arg9[%dma_wait3A_486, %dma_wait3A_497, %dma_wait3A_498] : memref<4x64x128xf32, #tpu.memory_space<vmem>> -> memref<1x64x128xf32, #tpu.memory_space<vmem>>
      %dma_wait3A_500 = tpu.memref_squeeze %dma_wait3A_499 : memref<1x64x128xf32, #tpu.memory_space<vmem>> -> memref<64x128xf32, #tpu.memory_space<vmem>>
      %dma_wait3A_501 = arith.constant 0 : i32
      %dma_wait3A_502 = arith.constant 0 : i32
      %dma_wait3A_503 = tpu.memref_slice %arg4[%dma_wait3A_501, %dma_wait3A_502] : memref<64x1000000xf32, #tpu.memory_space<hbm>> -> memref<64x128xf32, #tpu.memory_space<hbm>>
      tpu.wait_dma2 semaphore(%dma_wait3A_496 : memref<!tpu.dma_semaphore, #tpu.memory_space<semaphore_mem>>) src(%dma_wait3A_503 : memref<64x128xf32, #tpu.memory_space<hbm>>) dst(%dma_wait3A_500 : memref<64x128xf32, #tpu.memory_space<vmem>>)
      %dma_wait3A_504 = arith.constant 2 : i32
      %dma_wait3A_505 = arith.constant 2 : i32
      %dma_wait3A_506 = arith.constant 0 : i32
      %dma_wait3A_507 = arith.constant 0 : i32
      %dma_wait3A_508 = tpu.memref_slice %arg10[%dma_wait3A_504, %dma_wait3A_506, %dma_wait3A_507] : memref<4x64x128xf32, #tpu.memory_space<vmem>> -> memref<1x64x128xf32, #tpu.memory_space<vmem>>
      %dma_wait3A_509 = tpu.memref_squeeze %dma_wait3A_508 : memref<1x64x128xf32, #tpu.memory_space<vmem>> -> memref<64x128xf32, #tpu.memory_space<vmem>>
      %dma_wait3A_510 = arith.constant 0 : i32
      %dma_wait3A_511 = arith.constant 0 : i32
      %dma_wait3A_512 = tpu.memref_slice %arg5[%dma_wait3A_510, %dma_wait3A_511] : memref<64x1000000xf32, #tpu.memory_space<hbm>> -> memref<64x128xf32, #tpu.memory_space<hbm>>
      %dma_wait3A_513 = tpu.memref_slice %arg13[%dma_wait3A_505] : memref<4x!tpu.dma_semaphore, #tpu.memory_space<semaphore_mem>> -> memref<1x!tpu.dma_semaphore, #tpu.memory_space<semaphore_mem>>
      %dma_wait3A_514 = tpu.memref_squeeze %dma_wait3A_513 : memref<1x!tpu.dma_semaphore, #tpu.memory_space<semaphore_mem>> -> memref<!tpu.dma_semaphore, #tpu.memory_space<semaphore_mem>>
      %dma_wait3A_515 = arith.constant 0 : i32
      %dma_wait3A_516 = arith.constant 0 : i32
      %dma_wait3A_517 = tpu.memref_slice %arg10[%dma_wait3A_504, %dma_wait3A_515, %dma_wait3A_516] : memref<4x64x128xf32, #tpu.memory_space<vmem>> -> memref<1x64x128xf32, #tpu.memory_space<vmem>>
      %dma_wait3A_518 = tpu.memref_squeeze %dma_wait3A_517 : memref<1x64x128xf32, #tpu.memory_space<vmem>> -> memref<64x128xf32, #tpu.memory_space<vmem>>
      %dma_wait3A_519 = arith.constant 0 : i32
      %dma_wait3A_520 = arith.constant 0 : i32
      %dma_wait3A_521 = tpu.memref_slice %arg5[%dma_wait3A_519, %dma_wait3A_520] : memref<64x1000000xf32, #tpu.memory_space<hbm>> -> memref<64x128xf32, #tpu.memory_space<hbm>>
      tpu.wait_dma2 semaphore(%dma_wait3A_514 : memref<!tpu.dma_semaphore, #tpu.memory_space<semaphore_mem>>) src(%dma_wait3A_521 : memref<64x128xf32, #tpu.memory_space<hbm>>) dst(%dma_wait3A_518 : memref<64x128xf32, #tpu.memory_space<vmem>>)
      %broadcast_in_dim3A_522 = vector.broadcast %add3A_485 : i32 to vector<16xi32>
      %gather3A_523 = tpu.vector_load_idx %arg7[%broadcast_in_dim3A_522] : memref<512xi32, #tpu.memory_space<vmem>>[vector<16xi32>], vector<16xi32>,
      %and3A_524 = arith.constant 127 : i32
      %and3A_525 = vector.broadcast %and3A_524 : i32 to vector<16xi32>
      %and3A_526 = arith.andi %gather3A_523, %and3A_525 : vector<16xi32>
      %broadcast_in_dim3A_527 = vector.broadcast %add3A_485 : i32 to vector<16xi32>
      %gather3A_528 = tpu.vector_load_idx %arg8[%broadcast_in_dim3A_527] : memref<512xi32, #tpu.memory_space<vmem>>[vector<16xi32>], vector<16xi32>,
      %and3A_529 = arith.constant 127 : i32
      %and3A_530 = vector.broadcast %and3A_529 : i32 to vector<16xi32>
      %and3A_531 = arith.andi %gather3A_528, %and3A_530 : vector<16xi32>
      %broadcast_in_dim3A_532 = arith.constant 0.000000e+00 : f32
      %broadcast_in_dim3A_533 = vector.broadcast %broadcast_in_dim3A_532 : f32 to vector<16xf32>
      %add3A_534 = arith.constant 0 : i32
      %add3A_535 = vector.broadcast %add3A_534 : i32 to vector<16xi32>
      %add3A_536 = arith.addi %add3A_535, %iota3A : vector<16xi32>
      %gather3A_537 = arith.constant 2 : i32
      %gather3A_538 = arith.constant 0 : i32
      %gather3A_539 = arith.constant 0 : i32
      %gather3A_540 = tpu.memref_slice %arg9[%gather3A_537, %gather3A_538, %gather3A_539] : memref<4x64x128xf32, #tpu.memory_space<vmem>> -> memref<1x64x128xf32, #tpu.memory_space<vmem>>
      %gather3A_541 = tpu.memref_squeeze %gather3A_540 : memref<1x64x128xf32, #tpu.memory_space<vmem>> -> memref<64x128xf32, #tpu.memory_space<vmem>>
      %gather3A_542 = tpu.vector_load_idx %gather3A_541[%add3A_536, %and3A_526] : memref<64x128xf32, #tpu.memory_space<vmem>>[vector<16xi32>, vector<16xi32>], vector<16xf32>,
      %gather3A_543 = arith.constant 2 : i32
      %gather3A_544 = arith.constant 0 : i32
      %gather3A_545 = arith.constant 0 : i32
      %gather3A_546 = tpu.memref_slice %arg10[%gather3A_543, %gather3A_544, %gather3A_545] : memref<4x64x128xf32, #tpu.memory_space<vmem>> -> memref<1x64x128xf32, #tpu.memory_space<vmem>>
      %gather3A_547 = tpu.memref_squeeze %gather3A_546 : memref<1x64x128xf32, #tpu.memory_space<vmem>> -> memref<64x128xf32, #tpu.memory_space<vmem>>
      %gather3A_548 = tpu.vector_load_idx %gather3A_547[%add3A_536, %and3A_531] : memref<64x128xf32, #tpu.memory_space<vmem>>[vector<16xi32>, vector<16xi32>], vector<16xf32>,
      %mul3A_549 = arith.mulf %gather3A_542, %gather3A_548 : vector<16xf32>
      %add3A_550 = arith.addf %broadcast_in_dim3A_533, %mul3A_549 : vector<16xf32>
      %add3A_551 = arith.constant 16 : i32
      %add3A_552 = vector.broadcast %add3A_551 : i32 to vector<16xi32>
      %add3A_553 = arith.addi %add3A_552, %iota3A : vector<16xi32>
      %gather3A_554 = arith.constant 2 : i32
      %gather3A_555 = arith.constant 0 : i32
      %gather3A_556 = arith.constant 0 : i32
      %gather3A_557 = tpu.memref_slice %arg9[%gather3A_554, %gather3A_555, %gather3A_556] : memref<4x64x128xf32, #tpu.memory_space<vmem>> -> memref<1x64x128xf32, #tpu.memory_space<vmem>>
      %gather3A_558 = tpu.memref_squeeze %gather3A_557 : memref<1x64x128xf32, #tpu.memory_space<vmem>> -> memref<64x128xf32, #tpu.memory_space<vmem>>
      %gather3A_559 = tpu.vector_load_idx %gather3A_558[%add3A_553, %and3A_526] : memref<64x128xf32, #tpu.memory_space<vmem>>[vector<16xi32>, vector<16xi32>], vector<16xf32>,
      %gather3A_560 = arith.constant 2 : i32
      %gather3A_561 = arith.constant 0 : i32
      %gather3A_562 = arith.constant 0 : i32
      %gather3A_563 = tpu.memref_slice %arg10[%gather3A_560, %gather3A_561, %gather3A_562] : memref<4x64x128xf32, #tpu.memory_space<vmem>> -> memref<1x64x128xf32, #tpu.memory_space<vmem>>
      %gather3A_564 = tpu.memref_squeeze %gather3A_563 : memref<1x64x128xf32, #tpu.memory_space<vmem>> -> memref<64x128xf32, #tpu.memory_space<vmem>>
      %gather3A_565 = tpu.vector_load_idx %gather3A_564[%add3A_553, %and3A_531] : memref<64x128xf32, #tpu.memory_space<vmem>>[vector<16xi32>, vector<16xi32>], vector<16xf32>,
      %mul3A_566 = arith.mulf %gather3A_559, %gather3A_565 : vector<16xf32>
      %add3A_567 = arith.addf %add3A_550, %mul3A_566 : vector<16xf32>
      %add3A_568 = arith.constant 32 : i32
      %add3A_569 = vector.broadcast %add3A_568 : i32 to vector<16xi32>
      %add3A_570 = arith.addi %add3A_569, %iota3A : vector<16xi32>
      %gather3A_571 = arith.constant 2 : i32
      %gather3A_572 = arith.constant 0 : i32
      %gather3A_573 = arith.constant 0 : i32
      %gather3A_574 = tpu.memref_slice %arg9[%gather3A_571, %gather3A_572, %gather3A_573] : memref<4x64x128xf32, #tpu.memory_space<vmem>> -> memref<1x64x128xf32, #tpu.memory_space<vmem>>
      %gather3A_575 = tpu.memref_squeeze %gather3A_574 : memref<1x64x128xf32, #tpu.memory_space<vmem>> -> memref<64x128xf32, #tpu.memory_space<vmem>>
      %gather3A_576 = tpu.vector_load_idx %gather3A_575[%add3A_570, %and3A_526] : memref<64x128xf32, #tpu.memory_space<vmem>>[vector<16xi32>, vector<16xi32>], vector<16xf32>,
      %gather3A_577 = arith.constant 2 : i32
      %gather3A_578 = arith.constant 0 : i32
      %gather3A_579 = arith.constant 0 : i32
      %gather3A_580 = tpu.memref_slice %arg10[%gather3A_577, %gather3A_578, %gather3A_579] : memref<4x64x128xf32, #tpu.memory_space<vmem>> -> memref<1x64x128xf32, #tpu.memory_space<vmem>>
      %gather3A_581 = tpu.memref_squeeze %gather3A_580 : memref<1x64x128xf32, #tpu.memory_space<vmem>> -> memref<64x128xf32, #tpu.memory_space<vmem>>
      %gather3A_582 = tpu.vector_load_idx %gather3A_581[%add3A_570, %and3A_531] : memref<64x128xf32, #tpu.memory_space<vmem>>[vector<16xi32>, vector<16xi32>], vector<16xf32>,
      %mul3A_583 = arith.mulf %gather3A_576, %gather3A_582 : vector<16xf32>
      %add3A_584 = arith.addf %add3A_567, %mul3A_583 : vector<16xf32>
      %add3A_585 = arith.constant 48 : i32
      %add3A_586 = vector.broadcast %add3A_585 : i32 to vector<16xi32>
      %add3A_587 = arith.addi %add3A_586, %iota3A : vector<16xi32>
      %gather3A_588 = arith.constant 2 : i32
      %gather3A_589 = arith.constant 0 : i32
      %gather3A_590 = arith.constant 0 : i32
      %gather3A_591 = tpu.memref_slice %arg9[%gather3A_588, %gather3A_589, %gather3A_590] : memref<4x64x128xf32, #tpu.memory_space<vmem>> -> memref<1x64x128xf32, #tpu.memory_space<vmem>>
      %gather3A_592 = tpu.memref_squeeze %gather3A_591 : memref<1x64x128xf32, #tpu.memory_space<vmem>> -> memref<64x128xf32, #tpu.memory_space<vmem>>
      %gather3A_593 = tpu.vector_load_idx %gather3A_592[%add3A_587, %and3A_526] : memref<64x128xf32, #tpu.memory_space<vmem>>[vector<16xi32>, vector<16xi32>], vector<16xf32>,
      %gather3A_594 = arith.constant 2 : i32
      %gather3A_595 = arith.constant 0 : i32
      %gather3A_596 = arith.constant 0 : i32
      %gather3A_597 = tpu.memref_slice %arg10[%gather3A_594, %gather3A_595, %gather3A_596] : memref<4x64x128xf32, #tpu.memory_space<vmem>> -> memref<1x64x128xf32, #tpu.memory_space<vmem>>
      %gather3A_598 = tpu.memref_squeeze %gather3A_597 : memref<1x64x128xf32, #tpu.memory_space<vmem>> -> memref<64x128xf32, #tpu.memory_space<vmem>>
      %gather3A_599 = tpu.vector_load_idx %gather3A_598[%add3A_587, %and3A_531] : memref<64x128xf32, #tpu.memory_space<vmem>>[vector<16xi32>, vector<16xi32>], vector<16xf32>,
      %mul3A_600 = arith.mulf %gather3A_593, %gather3A_599 : vector<16xf32>
      %add3A_601 = arith.addf %add3A_584, %mul3A_600 : vector<16xf32>
      %add3A_602 = arith.constant 2 : i32
      %add3A_603 = arith.addi %mul3A_215, %add3A_602 : i32
      %eq3A_604 = vector.broadcast %add3A_603 : i32 to vector<16xi32>
      %eq3A_605 = arith.cmpi eq, %iota3A, %eq3A_604 : vector<16xi32>
      %reduce_sum3A_606 = arith.constant true
      %reduce_sum3A_607 = vector.broadcast %reduce_sum3A_606 : i1 to vector<16xi1>
      %reduce_sum3A_608 = tpu.scan <sum>, %add3A_601 masked %reduce_sum3A_607 : vector<16xf32>, vector<16xi1> -> vector<16xf32>
      %reduce_sum3A_609 = vector.extract %reduce_sum3A_608[15] : f32 from vector<16xf32>
      %broadcast_in_dim3A_610 = vector.broadcast %reduce_sum3A_609 : f32 to vector<16xf32>
      %select_n3A_611 = arith.select %eq3A_605, %broadcast_in_dim3A_610, %select_n3A_474 : vector<16xi1>, vector<16xf32>
      %add3A_612 = arith.constant 4 : i32
      %add3A_613 = arith.addi %add3A_485, %add3A_612 : i32
      %lt3A_614 = arith.constant 512 : i32
      %lt3A_615 = arith.cmpi slt, %add3A_613, %lt3A_614 : i32
      %convert_element_type3A_616 = arith.extui %lt3A_615 : i1 to i32
      %cond3A_617 = arith.constant 0 : i32
      %cond3A_618 = arith.cmpi ne, %convert_element_type3A_616, %cond3A_617 : i32
      scf.if %cond3A_618 {
        %broadcast_in_dim3A_763 = vector.broadcast %add3A_613 : i32 to vector<16xi32>
        %gather3A_764 = tpu.vector_load_idx %arg7[%broadcast_in_dim3A_763] : memref<512xi32, #tpu.memory_space<vmem>>[vector<16xi32>], vector<16xi32>,
        %slice3A_765 = vector.extract_strided_slice %gather3A_764 {offsets = [0], sizes = [1], strides = [1]} : vector<16xi32> to vector<1xi32>
        %squeeze3A_766 = vector.extract %slice3A_765[0] : i32 from vector<1xi32>
        %shift_right_logical3A_767 = arith.constant 7 : i32
        %shift_right_logical3A_768 = arith.shrui %squeeze3A_766, %shift_right_logical3A_767 : i32
        %mul3A_769 = arith.constant 128 : i32
        %mul3A_770 = arith.muli %shift_right_logical3A_768, %mul3A_769 : i32
        %multiple_of3A_771 = tpu.assume_multiple %mul3A_770, 128 : i32
        %dma_start3A_772 = arith.constant 2 : i32
        %dma_start3A_773 = arith.constant 2 : i32
        %dma_start3A_774 = arith.constant 0 : i32
        %dma_start3A_775 = arith.constant 0 : i32
        %dma_start3A_776 = tpu.memref_slice %arg9[%dma_start3A_772, %dma_start3A_774, %dma_start3A_775] : memref<4x64x128xf32, #tpu.memory_space<vmem>> -> memref<1x64x128xf32, #tpu.memory_space<vmem>>
        %dma_start3A_777 = tpu.memref_squeeze %dma_start3A_776 : memref<1x64x128xf32, #tpu.memory_space<vmem>> -> memref<64x128xf32, #tpu.memory_space<vmem>>
        %dma_start3A_778 = arith.constant 0 : i32
        %dma_start3A_779 = tpu.memref_slice %arg4[%dma_start3A_778, %multiple_of3A_771] : memref<64x1000000xf32, #tpu.memory_space<hbm>> -> memref<64x128xf32, #tpu.memory_space<hbm>>
        %dma_start3A_780 = tpu.memref_slice %arg12[%dma_start3A_773] : memref<4x!tpu.dma_semaphore, #tpu.memory_space<semaphore_mem>> -> memref<1x!tpu.dma_semaphore, #tpu.memory_space<semaphore_mem>>
        %dma_start3A_781 = tpu.memref_squeeze %dma_start3A_780 : memref<1x!tpu.dma_semaphore, #tpu.memory_space<semaphore_mem>> -> memref<!tpu.dma_semaphore, #tpu.memory_space<semaphore_mem>>
        %dma_start3A_782 = arith.constant 0 : i32
        %dma_start3A_783 = arith.constant 0 : i32
        %dma_start3A_784 = tpu.memref_slice %arg9[%dma_start3A_772, %dma_start3A_782, %dma_start3A_783] : memref<4x64x128xf32, #tpu.memory_space<vmem>> -> memref<1x64x128xf32, #tpu.memory_space<vmem>>
        %dma_start3A_785 = tpu.memref_squeeze %dma_start3A_784 : memref<1x64x128xf32, #tpu.memory_space<vmem>> -> memref<64x128xf32, #tpu.memory_space<vmem>>
        %dma_start3A_786 = arith.constant 0 : i32
        %dma_start3A_787 = tpu.memref_slice %arg4[%dma_start3A_786, %multiple_of3A_771] : memref<64x1000000xf32, #tpu.memory_space<hbm>> -> memref<64x128xf32, #tpu.memory_space<hbm>>
        tpu.enqueue_dma source(%dma_start3A_787 : memref<64x128xf32, #tpu.memory_space<hbm>>) target(%dma_start3A_785 : memref<64x128xf32, #tpu.memory_space<vmem>>) target_semaphore(%dma_start3A_781 : memref<!tpu.dma_semaphore, #tpu.memory_space<semaphore_mem>>)
        %broadcast_in_dim3A_788 = vector.broadcast %add3A_613 : i32 to vector<16xi32>
        %gather3A_789 = tpu.vector_load_idx %arg8[%broadcast_in_dim3A_788] : memref<512xi32, #tpu.memory_space<vmem>>[vector<16xi32>], vector<16xi32>,
        %slice3A_790 = vector.extract_strided_slice %gather3A_789 {offsets = [0], sizes = [1], strides = [1]} : vector<16xi32> to vector<1xi32>
        %squeeze3A_791 = vector.extract %slice3A_790[0] : i32 from vector<1xi32>
        %shift_right_logical3A_792 = arith.constant 7 : i32
        %shift_right_logical3A_793 = arith.shrui %squeeze3A_791, %shift_right_logical3A_792 : i32
        %mul3A_794 = arith.constant 128 : i32
        %mul3A_795 = arith.muli %shift_right_logical3A_793, %mul3A_794 : i32
        %multiple_of3A_796 = tpu.assume_multiple %mul3A_795, 128 : i32
        %dma_start3A_797 = arith.constant 2 : i32
        %dma_start3A_798 = arith.constant 2 : i32
        %dma_start3A_799 = arith.constant 0 : i32
        %dma_start3A_800 = arith.constant 0 : i32
        %dma_start3A_801 = tpu.memref_slice %arg10[%dma_start3A_797, %dma_start3A_799, %dma_start3A_800] : memref<4x64x128xf32, #tpu.memory_space<vmem>> -> memref<1x64x128xf32, #tpu.memory_space<vmem>>
        %dma_start3A_802 = tpu.memref_squeeze %dma_start3A_801 : memref<1x64x128xf32, #tpu.memory_space<vmem>> -> memref<64x128xf32, #tpu.memory_space<vmem>>
        %dma_start3A_803 = arith.constant 0 : i32
        %dma_start3A_804 = tpu.memref_slice %arg5[%dma_start3A_803, %multiple_of3A_796] : memref<64x1000000xf32, #tpu.memory_space<hbm>> -> memref<64x128xf32, #tpu.memory_space<hbm>>
        %dma_start3A_805 = tpu.memref_slice %arg13[%dma_start3A_798] : memref<4x!tpu.dma_semaphore, #tpu.memory_space<semaphore_mem>> -> memref<1x!tpu.dma_semaphore, #tpu.memory_space<semaphore_mem>>
        %dma_start3A_806 = tpu.memref_squeeze %dma_start3A_805 : memref<1x!tpu.dma_semaphore, #tpu.memory_space<semaphore_mem>> -> memref<!tpu.dma_semaphore, #tpu.memory_space<semaphore_mem>>
        %dma_start3A_807 = arith.constant 0 : i32
        %dma_start3A_808 = arith.constant 0 : i32
        %dma_start3A_809 = tpu.memref_slice %arg10[%dma_start3A_797, %dma_start3A_807, %dma_start3A_808] : memref<4x64x128xf32, #tpu.memory_space<vmem>> -> memref<1x64x128xf32, #tpu.memory_space<vmem>>
        %dma_start3A_810 = tpu.memref_squeeze %dma_start3A_809 : memref<1x64x128xf32, #tpu.memory_space<vmem>> -> memref<64x128xf32, #tpu.memory_space<vmem>>
        %dma_start3A_811 = arith.constant 0 : i32
        %dma_start3A_812 = tpu.memref_slice %arg5[%dma_start3A_811, %multiple_of3A_796] : memref<64x1000000xf32, #tpu.memory_space<hbm>> -> memref<64x128xf32, #tpu.memory_space<hbm>>
        tpu.enqueue_dma source(%dma_start3A_812 : memref<64x128xf32, #tpu.memory_space<hbm>>) target(%dma_start3A_810 : memref<64x128xf32, #tpu.memory_space<vmem>>) target_semaphore(%dma_start3A_806 : memref<!tpu.dma_semaphore, #tpu.memory_space<semaphore_mem>>)
      } else {
      }
      %mul3A_619 = arith.constant 4 : i32
      %mul3A_620 = arith.muli %scan3A_211, %mul3A_619 : i32
      %add3A_621 = arith.constant 3 : i32
      %add3A_622 = arith.addi %mul3A_620, %add3A_621 : i32
      %dma_wait3A_623 = arith.constant 3 : i32
      %dma_wait3A_624 = arith.constant 3 : i32
      %dma_wait3A_625 = arith.constant 0 : i32
      %dma_wait3A_626 = arith.constant 0 : i32
      %dma_wait3A_627 = tpu.memref_slice %arg9[%dma_wait3A_623, %dma_wait3A_625, %dma_wait3A_626] : memref<4x64x128xf32, #tpu.memory_space<vmem>> -> memref<1x64x128xf32, #tpu.memory_space<vmem>>
      %dma_wait3A_628 = tpu.memref_squeeze %dma_wait3A_627 : memref<1x64x128xf32, #tpu.memory_space<vmem>> -> memref<64x128xf32, #tpu.memory_space<vmem>>
      %dma_wait3A_629 = arith.constant 0 : i32
      %dma_wait3A_630 = arith.constant 0 : i32
      %dma_wait3A_631 = tpu.memref_slice %arg4[%dma_wait3A_629, %dma_wait3A_630] : memref<64x1000000xf32, #tpu.memory_space<hbm>> -> memref<64x128xf32, #tpu.memory_space<hbm>>
      %dma_wait3A_632 = tpu.memref_slice %arg12[%dma_wait3A_624] : memref<4x!tpu.dma_semaphore, #tpu.memory_space<semaphore_mem>> -> memref<1x!tpu.dma_semaphore, #tpu.memory_space<semaphore_mem>>
      %dma_wait3A_633 = tpu.memref_squeeze %dma_wait3A_632 : memref<1x!tpu.dma_semaphore, #tpu.memory_space<semaphore_mem>> -> memref<!tpu.dma_semaphore, #tpu.memory_space<semaphore_mem>>
      %dma_wait3A_634 = arith.constant 0 : i32
      %dma_wait3A_635 = arith.constant 0 : i32
      %dma_wait3A_636 = tpu.memref_slice %arg9[%dma_wait3A_623, %dma_wait3A_634, %dma_wait3A_635] : memref<4x64x128xf32, #tpu.memory_space<vmem>> -> memref<1x64x128xf32, #tpu.memory_space<vmem>>
      %dma_wait3A_637 = tpu.memref_squeeze %dma_wait3A_636 : memref<1x64x128xf32, #tpu.memory_space<vmem>> -> memref<64x128xf32, #tpu.memory_space<vmem>>
      %dma_wait3A_638 = arith.constant 0 : i32
      %dma_wait3A_639 = arith.constant 0 : i32
      %dma_wait3A_640 = tpu.memref_slice %arg4[%dma_wait3A_638, %dma_wait3A_639] : memref<64x1000000xf32, #tpu.memory_space<hbm>> -> memref<64x128xf32, #tpu.memory_space<hbm>>
      tpu.wait_dma2 semaphore(%dma_wait3A_633 : memref<!tpu.dma_semaphore, #tpu.memory_space<semaphore_mem>>) src(%dma_wait3A_640 : memref<64x128xf32, #tpu.memory_space<hbm>>) dst(%dma_wait3A_637 : memref<64x128xf32, #tpu.memory_space<vmem>>)
      %dma_wait3A_641 = arith.constant 3 : i32
      %dma_wait3A_642 = arith.constant 3 : i32
      %dma_wait3A_643 = arith.constant 0 : i32
      %dma_wait3A_644 = arith.constant 0 : i32
      %dma_wait3A_645 = tpu.memref_slice %arg10[%dma_wait3A_641, %dma_wait3A_643, %dma_wait3A_644] : memref<4x64x128xf32, #tpu.memory_space<vmem>> -> memref<1x64x128xf32, #tpu.memory_space<vmem>>
      %dma_wait3A_646 = tpu.memref_squeeze %dma_wait3A_645 : memref<1x64x128xf32, #tpu.memory_space<vmem>> -> memref<64x128xf32, #tpu.memory_space<vmem>>
      %dma_wait3A_647 = arith.constant 0 : i32
      %dma_wait3A_648 = arith.constant 0 : i32
      %dma_wait3A_649 = tpu.memref_slice %arg5[%dma_wait3A_647, %dma_wait3A_648] : memref<64x1000000xf32, #tpu.memory_space<hbm>> -> memref<64x128xf32, #tpu.memory_space<hbm>>
      %dma_wait3A_650 = tpu.memref_slice %arg13[%dma_wait3A_642] : memref<4x!tpu.dma_semaphore, #tpu.memory_space<semaphore_mem>> -> memref<1x!tpu.dma_semaphore, #tpu.memory_space<semaphore_mem>>
      %dma_wait3A_651 = tpu.memref_squeeze %dma_wait3A_650 : memref<1x!tpu.dma_semaphore, #tpu.memory_space<semaphore_mem>> -> memref<!tpu.dma_semaphore, #tpu.memory_space<semaphore_mem>>
      %dma_wait3A_652 = arith.constant 0 : i32
      %dma_wait3A_653 = arith.constant 0 : i32
      %dma_wait3A_654 = tpu.memref_slice %arg10[%dma_wait3A_641, %dma_wait3A_652, %dma_wait3A_653] : memref<4x64x128xf32, #tpu.memory_space<vmem>> -> memref<1x64x128xf32, #tpu.memory_space<vmem>>
      %dma_wait3A_655 = tpu.memref_squeeze %dma_wait3A_654 : memref<1x64x128xf32, #tpu.memory_space<vmem>> -> memref<64x128xf32, #tpu.memory_space<vmem>>
      %dma_wait3A_656 = arith.constant 0 : i32
      %dma_wait3A_657 = arith.constant 0 : i32
      %dma_wait3A_658 = tpu.memref_slice %arg5[%dma_wait3A_656, %dma_wait3A_657] : memref<64x1000000xf32, #tpu.memory_space<hbm>> -> memref<64x128xf32, #tpu.memory_space<hbm>>
      tpu.wait_dma2 semaphore(%dma_wait3A_651 : memref<!tpu.dma_semaphore, #tpu.memory_space<semaphore_mem>>) src(%dma_wait3A_658 : memref<64x128xf32, #tpu.memory_space<hbm>>) dst(%dma_wait3A_655 : memref<64x128xf32, #tpu.memory_space<vmem>>)
      %broadcast_in_dim3A_659 = vector.broadcast %add3A_622 : i32 to vector<16xi32>
      %gather3A_660 = tpu.vector_load_idx %arg7[%broadcast_in_dim3A_659] : memref<512xi32, #tpu.memory_space<vmem>>[vector<16xi32>], vector<16xi32>,
      %and3A_661 = arith.constant 127 : i32
      %and3A_662 = vector.broadcast %and3A_661 : i32 to vector<16xi32>
      %and3A_663 = arith.andi %gather3A_660, %and3A_662 : vector<16xi32>
      %broadcast_in_dim3A_664 = vector.broadcast %add3A_622 : i32 to vector<16xi32>
      %gather3A_665 = tpu.vector_load_idx %arg8[%broadcast_in_dim3A_664] : memref<512xi32, #tpu.memory_space<vmem>>[vector<16xi32>], vector<16xi32>,
      %and3A_666 = arith.constant 127 : i32
      %and3A_667 = vector.broadcast %and3A_666 : i32 to vector<16xi32>
      %and3A_668 = arith.andi %gather3A_665, %and3A_667 : vector<16xi32>
      %broadcast_in_dim3A_669 = arith.constant 0.000000e+00 : f32
      %broadcast_in_dim3A_670 = vector.broadcast %broadcast_in_dim3A_669 : f32 to vector<16xf32>
      %add3A_671 = arith.constant 0 : i32
      %add3A_672 = vector.broadcast %add3A_671 : i32 to vector<16xi32>
      %add3A_673 = arith.addi %add3A_672, %iota3A : vector<16xi32>
      %gather3A_674 = arith.constant 3 : i32
      %gather3A_675 = arith.constant 0 : i32
      %gather3A_676 = arith.constant 0 : i32
      %gather3A_677 = tpu.memref_slice %arg9[%gather3A_674, %gather3A_675, %gather3A_676] : memref<4x64x128xf32, #tpu.memory_space<vmem>> -> memref<1x64x128xf32, #tpu.memory_space<vmem>>
      %gather3A_678 = tpu.memref_squeeze %gather3A_677 : memref<1x64x128xf32, #tpu.memory_space<vmem>> -> memref<64x128xf32, #tpu.memory_space<vmem>>
      %gather3A_679 = tpu.vector_load_idx %gather3A_678[%add3A_673, %and3A_663] : memref<64x128xf32, #tpu.memory_space<vmem>>[vector<16xi32>, vector<16xi32>], vector<16xf32>,
      %gather3A_680 = arith.constant 3 : i32
      %gather3A_681 = arith.constant 0 : i32
      %gather3A_682 = arith.constant 0 : i32
      %gather3A_683 = tpu.memref_slice %arg10[%gather3A_680, %gather3A_681, %gather3A_682] : memref<4x64x128xf32, #tpu.memory_space<vmem>> -> memref<1x64x128xf32, #tpu.memory_space<vmem>>
      %gather3A_684 = tpu.memref_squeeze %gather3A_683 : memref<1x64x128xf32, #tpu.memory_space<vmem>> -> memref<64x128xf32, #tpu.memory_space<vmem>>
      %gather3A_685 = tpu.vector_load_idx %gather3A_684[%add3A_673, %and3A_668] : memref<64x128xf32, #tpu.memory_space<vmem>>[vector<16xi32>, vector<16xi32>], vector<16xf32>,
      %mul3A_686 = arith.mulf %gather3A_679, %gather3A_685 : vector<16xf32>
      %add3A_687 = arith.addf %broadcast_in_dim3A_670, %mul3A_686 : vector<16xf32>
      %add3A_688 = arith.constant 16 : i32
      %add3A_689 = vector.broadcast %add3A_688 : i32 to vector<16xi32>
      %add3A_690 = arith.addi %add3A_689, %iota3A : vector<16xi32>
      %gather3A_691 = arith.constant 3 : i32
      %gather3A_692 = arith.constant 0 : i32
      %gather3A_693 = arith.constant 0 : i32
      %gather3A_694 = tpu.memref_slice %arg9[%gather3A_691, %gather3A_692, %gather3A_693] : memref<4x64x128xf32, #tpu.memory_space<vmem>> -> memref<1x64x128xf32, #tpu.memory_space<vmem>>
      %gather3A_695 = tpu.memref_squeeze %gather3A_694 : memref<1x64x128xf32, #tpu.memory_space<vmem>> -> memref<64x128xf32, #tpu.memory_space<vmem>>
      %gather3A_696 = tpu.vector_load_idx %gather3A_695[%add3A_690, %and3A_663] : memref<64x128xf32, #tpu.memory_space<vmem>>[vector<16xi32>, vector<16xi32>], vector<16xf32>,
      %gather3A_697 = arith.constant 3 : i32
      %gather3A_698 = arith.constant 0 : i32
      %gather3A_699 = arith.constant 0 : i32
      %gather3A_700 = tpu.memref_slice %arg10[%gather3A_697, %gather3A_698, %gather3A_699] : memref<4x64x128xf32, #tpu.memory_space<vmem>> -> memref<1x64x128xf32, #tpu.memory_space<vmem>>
      %gather3A_701 = tpu.memref_squeeze %gather3A_700 : memref<1x64x128xf32, #tpu.memory_space<vmem>> -> memref<64x128xf32, #tpu.memory_space<vmem>>
      %gather3A_702 = tpu.vector_load_idx %gather3A_701[%add3A_690, %and3A_668] : memref<64x128xf32, #tpu.memory_space<vmem>>[vector<16xi32>, vector<16xi32>], vector<16xf32>,
      %mul3A_703 = arith.mulf %gather3A_696, %gather3A_702 : vector<16xf32>
      %add3A_704 = arith.addf %add3A_687, %mul3A_703 : vector<16xf32>
      %add3A_705 = arith.constant 32 : i32
      %add3A_706 = vector.broadcast %add3A_705 : i32 to vector<16xi32>
      %add3A_707 = arith.addi %add3A_706, %iota3A : vector<16xi32>
      %gather3A_708 = arith.constant 3 : i32
      %gather3A_709 = arith.constant 0 : i32
      %gather3A_710 = arith.constant 0 : i32
      %gather3A_711 = tpu.memref_slice %arg9[%gather3A_708, %gather3A_709, %gather3A_710] : memref<4x64x128xf32, #tpu.memory_space<vmem>> -> memref<1x64x128xf32, #tpu.memory_space<vmem>>
      %gather3A_712 = tpu.memref_squeeze %gather3A_711 : memref<1x64x128xf32, #tpu.memory_space<vmem>> -> memref<64x128xf32, #tpu.memory_space<vmem>>
      %gather3A_713 = tpu.vector_load_idx %gather3A_712[%add3A_707, %and3A_663] : memref<64x128xf32, #tpu.memory_space<vmem>>[vector<16xi32>, vector<16xi32>], vector<16xf32>,
      %gather3A_714 = arith.constant 3 : i32
      %gather3A_715 = arith.constant 0 : i32
      %gather3A_716 = arith.constant 0 : i32
      %gather3A_717 = tpu.memref_slice %arg10[%gather3A_714, %gather3A_715, %gather3A_716] : memref<4x64x128xf32, #tpu.memory_space<vmem>> -> memref<1x64x128xf32, #tpu.memory_space<vmem>>
      %gather3A_718 = tpu.memref_squeeze %gather3A_717 : memref<1x64x128xf32, #tpu.memory_space<vmem>> -> memref<64x128xf32, #tpu.memory_space<vmem>>
      %gather3A_719 = tpu.vector_load_idx %gather3A_718[%add3A_707, %and3A_668] : memref<64x128xf32, #tpu.memory_space<vmem>>[vector<16xi32>, vector<16xi32>], vector<16xf32>,
      %mul3A_720 = arith.mulf %gather3A_713, %gather3A_719 : vector<16xf32>
      %add3A_721 = arith.addf %add3A_704, %mul3A_720 : vector<16xf32>
      %add3A_722 = arith.constant 48 : i32
      %add3A_723 = vector.broadcast %add3A_722 : i32 to vector<16xi32>
      %add3A_724 = arith.addi %add3A_723, %iota3A : vector<16xi32>
      %gather3A_725 = arith.constant 3 : i32
      %gather3A_726 = arith.constant 0 : i32
      %gather3A_727 = arith.constant 0 : i32
      %gather3A_728 = tpu.memref_slice %arg9[%gather3A_725, %gather3A_726, %gather3A_727] : memref<4x64x128xf32, #tpu.memory_space<vmem>> -> memref<1x64x128xf32, #tpu.memory_space<vmem>>
      %gather3A_729 = tpu.memref_squeeze %gather3A_728 : memref<1x64x128xf32, #tpu.memory_space<vmem>> -> memref<64x128xf32, #tpu.memory_space<vmem>>
      %gather3A_730 = tpu.vector_load_idx %gather3A_729[%add3A_724, %and3A_663] : memref<64x128xf32, #tpu.memory_space<vmem>>[vector<16xi32>, vector<16xi32>], vector<16xf32>,
      %gather3A_731 = arith.constant 3 : i32
      %gather3A_732 = arith.constant 0 : i32
      %gather3A_733 = arith.constant 0 : i32
      %gather3A_734 = tpu.memref_slice %arg10[%gather3A_731, %gather3A_732, %gather3A_733] : memref<4x64x128xf32, #tpu.memory_space<vmem>> -> memref<1x64x128xf32, #tpu.memory_space<vmem>>
      %gather3A_735 = tpu.memref_squeeze %gather3A_734 : memref<1x64x128xf32, #tpu.memory_space<vmem>> -> memref<64x128xf32, #tpu.memory_space<vmem>>
      %gather3A_736 = tpu.vector_load_idx %gather3A_735[%add3A_724, %and3A_668] : memref<64x128xf32, #tpu.memory_space<vmem>>[vector<16xi32>, vector<16xi32>], vector<16xf32>,
      %mul3A_737 = arith.mulf %gather3A_730, %gather3A_736 : vector<16xf32>
      %add3A_738 = arith.addf %add3A_721, %mul3A_737 : vector<16xf32>
      %add3A_739 = arith.constant 3 : i32
      %add3A_740 = arith.addi %mul3A_215, %add3A_739 : i32
      %eq3A_741 = vector.broadcast %add3A_740 : i32 to vector<16xi32>
      %eq3A_742 = arith.cmpi eq, %iota3A, %eq3A_741 : vector<16xi32>
      %reduce_sum3A_743 = arith.constant true
      %reduce_sum3A_744 = vector.broadcast %reduce_sum3A_743 : i1 to vector<16xi1>
      %reduce_sum3A_745 = tpu.scan <sum>, %add3A_738 masked %reduce_sum3A_744 : vector<16xf32>, vector<16xi1> -> vector<16xf32>
      %reduce_sum3A_746 = vector.extract %reduce_sum3A_745[15] : f32 from vector<16xf32>
      %broadcast_in_dim3A_747 = vector.broadcast %reduce_sum3A_746 : f32 to vector<16xf32>
      %select_n3A_748 = arith.select %eq3A_742, %broadcast_in_dim3A_747, %select_n3A_611 : vector<16xi1>, vector<16xf32>
      %add3A_749 = arith.constant 4 : i32
      %add3A_750 = arith.addi %add3A_622, %add3A_749 : i32
      %lt3A_751 = arith.constant 512 : i32
      %lt3A_752 = arith.cmpi slt, %add3A_750, %lt3A_751 : i32
      %convert_element_type3A_753 = arith.extui %lt3A_752 : i1 to i32
      %cond3A_754 = arith.constant 0 : i32
      %cond3A_755 = arith.cmpi ne, %convert_element_type3A_753, %cond3A_754 : i32
      scf.if %cond3A_755 {
        %broadcast_in_dim3A_763 = vector.broadcast %add3A_750 : i32 to vector<16xi32>
        %gather3A_764 = tpu.vector_load_idx %arg7[%broadcast_in_dim3A_763] : memref<512xi32, #tpu.memory_space<vmem>>[vector<16xi32>], vector<16xi32>,
        %slice3A_765 = vector.extract_strided_slice %gather3A_764 {offsets = [0], sizes = [1], strides = [1]} : vector<16xi32> to vector<1xi32>
        %squeeze3A_766 = vector.extract %slice3A_765[0] : i32 from vector<1xi32>
        %shift_right_logical3A_767 = arith.constant 7 : i32
        %shift_right_logical3A_768 = arith.shrui %squeeze3A_766, %shift_right_logical3A_767 : i32
        %mul3A_769 = arith.constant 128 : i32
        %mul3A_770 = arith.muli %shift_right_logical3A_768, %mul3A_769 : i32
        %multiple_of3A_771 = tpu.assume_multiple %mul3A_770, 128 : i32
        %dma_start3A_772 = arith.constant 3 : i32
        %dma_start3A_773 = arith.constant 3 : i32
        %dma_start3A_774 = arith.constant 0 : i32
        %dma_start3A_775 = arith.constant 0 : i32
        %dma_start3A_776 = tpu.memref_slice %arg9[%dma_start3A_772, %dma_start3A_774, %dma_start3A_775] : memref<4x64x128xf32, #tpu.memory_space<vmem>> -> memref<1x64x128xf32, #tpu.memory_space<vmem>>
        %dma_start3A_777 = tpu.memref_squeeze %dma_start3A_776 : memref<1x64x128xf32, #tpu.memory_space<vmem>> -> memref<64x128xf32, #tpu.memory_space<vmem>>
        %dma_start3A_778 = arith.constant 0 : i32
        %dma_start3A_779 = tpu.memref_slice %arg4[%dma_start3A_778, %multiple_of3A_771] : memref<64x1000000xf32, #tpu.memory_space<hbm>> -> memref<64x128xf32, #tpu.memory_space<hbm>>
        %dma_start3A_780 = tpu.memref_slice %arg12[%dma_start3A_773] : memref<4x!tpu.dma_semaphore, #tpu.memory_space<semaphore_mem>> -> memref<1x!tpu.dma_semaphore, #tpu.memory_space<semaphore_mem>>
        %dma_start3A_781 = tpu.memref_squeeze %dma_start3A_780 : memref<1x!tpu.dma_semaphore, #tpu.memory_space<semaphore_mem>> -> memref<!tpu.dma_semaphore, #tpu.memory_space<semaphore_mem>>
        %dma_start3A_782 = arith.constant 0 : i32
        %dma_start3A_783 = arith.constant 0 : i32
        %dma_start3A_784 = tpu.memref_slice %arg9[%dma_start3A_772, %dma_start3A_782, %dma_start3A_783] : memref<4x64x128xf32, #tpu.memory_space<vmem>> -> memref<1x64x128xf32, #tpu.memory_space<vmem>>
        %dma_start3A_785 = tpu.memref_squeeze %dma_start3A_784 : memref<1x64x128xf32, #tpu.memory_space<vmem>> -> memref<64x128xf32, #tpu.memory_space<vmem>>
        %dma_start3A_786 = arith.constant 0 : i32
        %dma_start3A_787 = tpu.memref_slice %arg4[%dma_start3A_786, %multiple_of3A_771] : memref<64x1000000xf32, #tpu.memory_space<hbm>> -> memref<64x128xf32, #tpu.memory_space<hbm>>
        tpu.enqueue_dma source(%dma_start3A_787 : memref<64x128xf32, #tpu.memory_space<hbm>>) target(%dma_start3A_785 : memref<64x128xf32, #tpu.memory_space<vmem>>) target_semaphore(%dma_start3A_781 : memref<!tpu.dma_semaphore, #tpu.memory_space<semaphore_mem>>)
        %broadcast_in_dim3A_788 = vector.broadcast %add3A_750 : i32 to vector<16xi32>
        %gather3A_789 = tpu.vector_load_idx %arg8[%broadcast_in_dim3A_788] : memref<512xi32, #tpu.memory_space<vmem>>[vector<16xi32>], vector<16xi32>,
        %slice3A_790 = vector.extract_strided_slice %gather3A_789 {offsets = [0], sizes = [1], strides = [1]} : vector<16xi32> to vector<1xi32>
        %squeeze3A_791 = vector.extract %slice3A_790[0] : i32 from vector<1xi32>
        %shift_right_logical3A_792 = arith.constant 7 : i32
        %shift_right_logical3A_793 = arith.shrui %squeeze3A_791, %shift_right_logical3A_792 : i32
        %mul3A_794 = arith.constant 128 : i32
        %mul3A_795 = arith.muli %shift_right_logical3A_793, %mul3A_794 : i32
        %multiple_of3A_796 = tpu.assume_multiple %mul3A_795, 128 : i32
        %dma_start3A_797 = arith.constant 3 : i32
        %dma_start3A_798 = arith.constant 3 : i32
        %dma_start3A_799 = arith.constant 0 : i32
        %dma_start3A_800 = arith.constant 0 : i32
        %dma_start3A_801 = tpu.memref_slice %arg10[%dma_start3A_797, %dma_start3A_799, %dma_start3A_800] : memref<4x64x128xf32, #tpu.memory_space<vmem>> -> memref<1x64x128xf32, #tpu.memory_space<vmem>>
        %dma_start3A_802 = tpu.memref_squeeze %dma_start3A_801 : memref<1x64x128xf32, #tpu.memory_space<vmem>> -> memref<64x128xf32, #tpu.memory_space<vmem>>
        %dma_start3A_803 = arith.constant 0 : i32
        %dma_start3A_804 = tpu.memref_slice %arg5[%dma_start3A_803, %multiple_of3A_796] : memref<64x1000000xf32, #tpu.memory_space<hbm>> -> memref<64x128xf32, #tpu.memory_space<hbm>>
        %dma_start3A_805 = tpu.memref_slice %arg13[%dma_start3A_798] : memref<4x!tpu.dma_semaphore, #tpu.memory_space<semaphore_mem>> -> memref<1x!tpu.dma_semaphore, #tpu.memory_space<semaphore_mem>>
        %dma_start3A_806 = tpu.memref_squeeze %dma_start3A_805 : memref<1x!tpu.dma_semaphore, #tpu.memory_space<semaphore_mem>> -> memref<!tpu.dma_semaphore, #tpu.memory_space<semaphore_mem>>
        %dma_start3A_807 = arith.constant 0 : i32
        %dma_start3A_808 = arith.constant 0 : i32
        %dma_start3A_809 = tpu.memref_slice %arg10[%dma_start3A_797, %dma_start3A_807, %dma_start3A_808] : memref<4x64x128xf32, #tpu.memory_space<vmem>> -> memref<1x64x128xf32, #tpu.memory_space<vmem>>
        %dma_start3A_810 = tpu.memref_squeeze %dma_start3A_809 : memref<1x64x128xf32, #tpu.memory_space<vmem>> -> memref<64x128xf32, #tpu.memory_space<vmem>>
        %dma_start3A_811 = arith.constant 0 : i32
        %dma_start3A_812 = tpu.memref_slice %arg5[%dma_start3A_811, %multiple_of3A_796] : memref<64x1000000xf32, #tpu.memory_space<hbm>> -> memref<64x128xf32, #tpu.memory_space<hbm>>
        tpu.enqueue_dma source(%dma_start3A_812 : memref<64x128xf32, #tpu.memory_space<hbm>>) target(%dma_start3A_810 : memref<64x128xf32, #tpu.memory_space<vmem>>) target_semaphore(%dma_start3A_806 : memref<!tpu.dma_semaphore, #tpu.memory_space<semaphore_mem>>)
      } else {
      }
      %add3A_756 = arith.constant 4 : i32
      %add3A_757 = arith.addi %mul3A_215, %add3A_756 : i32
      %eq3A_758 = arith.constant 16 : i32
      %eq3A_759 = arith.cmpi eq, %add3A_757, %eq3A_758 : i32
      %convert_element_type3A_760 = arith.extui %eq3A_759 : i1 to i32
      %cond3A_761 = arith.constant 0 : i32
      %cond3A_762 = arith.cmpi ne, %convert_element_type3A_760, %cond3A_761 : i32
      scf.if %cond3A_762 {
        %jit3A = arith.constant 4 : i32
        %div3A = arith.divsi %scan3A_211, %jit3A : i32
        %sign3A = arith.constant 0 : i32
        %sign3A_763 = arith.cmpi sgt, %scan3A_211, %sign3A : i32
        %sign3A_764 = arith.extui %sign3A_763 : i1 to i32
        %sign3A_765 = arith.constant 0 : i32
        %sign3A_766 = arith.cmpi slt, %scan3A_211, %sign3A_765 : i32
        %sign3A_767 = arith.extui %sign3A_766 : i1 to i32
        %sign3A_768 = arith.subi %sign3A_764, %sign3A_767 : i32
        %sign3A_769 = arith.constant 0 : i32
        %sign3A_770 = arith.cmpi sgt, %jit3A, %sign3A_769 : i32
        %sign3A_771 = arith.extui %sign3A_770 : i1 to i32
        %sign3A_772 = arith.constant 0 : i32
        %sign3A_773 = arith.cmpi slt, %jit3A, %sign3A_772 : i32
        %sign3A_774 = arith.extui %sign3A_773 : i1 to i32
        %sign3A_775 = arith.subi %sign3A_771, %sign3A_774 : i32
        %ne3A = arith.cmpi ne, %sign3A_768, %sign3A_775 : i32
        %rem3A_776 = arith.remsi %scan3A_211, %jit3A : i32
        %ne3A_777 = arith.constant 0 : i32
        %ne3A_778 = arith.cmpi ne, %rem3A_776, %ne3A_777 : i32
        %and3A_779 = arith.andi %ne3A, %ne3A_778 : i1
        %sub3A = arith.constant 1 : i32
        %sub3A_780 = arith.subi %div3A, %sub3A : i32
        %select_n3A_781 = arith.select %and3A_779, %sub3A_780, %div3A : i32
        %mul3A_782 = arith.constant 16 : i32
        %mul3A_783 = arith.muli %select_n3A_781, %mul3A_782 : i32
        %swap3A = arith.index_cast %mul3A_783 : i32 to index
        %swap3A_784 = tpu.vector_load %arg11[%swap3A] {strides = array<i32>} : memref<512xf32, #tpu.memory_space<vmem>>, vector<16xf32>,
        tpu.vector_store %arg11[%swap3A], %select_n3A_748 {strides = array<i32>} : memref<512xf32, #tpu.memory_space<vmem>>, vector<16xf32>,
      } else {
      }
      scf.yield %select_n3A_748 : vector<16xf32>
    }
    %scan3A_210 = arith.constant 128 : i32
    "tpu.region"() ({
      %run_scoped3A = tpu.sem_alloc : memref<!tpu.dma_semaphore, #tpu.memory_space<semaphore_mem>>
      %dma_start3A_211 = tpu.memref_slice %arg6[%mul3A_2] : memref<16384xf32, #tpu.memory_space<hbm>> -> memref<512xf32, #tpu.memory_space<hbm>>
      %dma_start3A_212 = tpu.memref_slice %arg6[%mul3A_2] : memref<16384xf32, #tpu.memory_space<hbm>> -> memref<512xf32, #tpu.memory_space<hbm>>
      tpu.enqueue_dma source(%arg11 : memref<512xf32, #tpu.memory_space<vmem>>) target(%dma_start3A_212 : memref<512xf32, #tpu.memory_space<hbm>>) target_semaphore(%run_scoped3A : memref<!tpu.dma_semaphore, #tpu.memory_space<semaphore_mem>>)
      %dma_wait3A = tpu.memref_slice %arg6[%mul3A_2] : memref<16384xf32, #tpu.memory_space<hbm>> -> memref<512xf32, #tpu.memory_space<hbm>>
      %dma_wait3A_213 = tpu.memref_slice %arg6[%mul3A_2] : memref<16384xf32, #tpu.memory_space<hbm>> -> memref<512xf32, #tpu.memory_space<hbm>>
      tpu.wait_dma2 semaphore(%run_scoped3A : memref<!tpu.dma_semaphore, #tpu.memory_space<semaphore_mem>>) src(%arg11 : memref<512xf32, #tpu.memory_space<vmem>>) dst(%dma_wait3A_213 : memref<512xf32, #tpu.memory_space<hbm>>)
      tpu.yield
    }) : () -> ()
    return
  }
}

</mosaic_0001>

<sc_bundles>
// kernel: kernel.3.cloned.1.call-start
scs
__scs_entry_jumppad:
0x0: {  	(pc) =	sbr.rel $0x88, $3  }
0x1: {  	(tag) =	ssettag $0x0;
	lr =	simm.s32 $0x1  }
0x2: {  	[smem:$0x3F9D] =	sst lr;
	_ =	strace $0xD0000000  }
0x3: {  	_ = 	snop  }
0x4: {  	_ = 	snop  }
0x5: {  	_ = 	snop  }
0x6: {  	_ = 	snop  }
0x7: {  	_ = 	snop  }
__scs_overlays_trampoline_lowered:
0x8: {  	[smem:$0x3FAC] =	sst s0  }
0x9: {  	[smem:$0x3FAD] =	sst s1  }
0xa: {  	[smem:$0x3FAE] =	sst s2  }
0xb: {  	[smem:$0x3FAF] =	sst s3  }
0xc: {  	[smem:$0x3FB0] =	sst s4  }
0xd: {  	[smem:$0x3FB1] =	sst s5  }
0xe: {  	[smem:$0x3FB2] =	sst s6  }
0xf: {  	[smem:$0x3FB3] =	sst s7  }
0x10: {  	[smem:$0x3FB4] =	sst s8  }
0x11: {  	[smem:$0x3FB5] =	sst s9;
	s0 =	simm.s32 @!p0 $0x0  }
0x12: {  	s1 =	sld [smem:$0x3F9B];
	s0 =	simm.s32 @p0 $0x1  }
0x13: {  	[smem:$0x3FB6] =	sst s0;
	s0 =	simm.s32 @!p1 $0x0  }
0x14: {  	s2 =	sld [smem:$0x3F9A];
	s0 =	simm.s32 @p1 $0x1  }
0x15: {  	[smem:$0x3FB7] =	sst s0;
	s0 =	simm.s32 @!p2 $0x0  }
0x16: {  	s3 =	sld [smem:$0x3FDB];
	s0 =	simm.s32 @p2 $0x1  }
0x17: {  	s4 =	simm.s32 $0x1BF5;
	[smem:$0x3FB9] =	sst s0  }
0x18: {  	s0 =	sld [smem:$0x3F9C];
	_ =	swait.ge [sflag:s4], $0x0  }
0x19: {  	s7 =	sld [smem:$0x3F9D]  }
0x1a: {  	s8 =	sadd.s32 $0xFFFFE003, lr  }
0x1b: {  	s9 =	sadd.s32 $0xFFFFFEF7, lr;
	s5 =	simm.s32 $0xFFFFFFFF;
	p2 =	slt.u32 s8, $0xFFFFF086  }
0x1c: {  	p1 =	slt.u32 s9, $0xF7A;
	s5 =	simm.s32 @!p2 $0x0  }
0x1d: {  	s5 =	simm.s32 @p1 $0x1;
	p0 =	seq.s32 s7, s2  }
0x1e: {  	s7 =	smul.u32 @!p0 $0xF7A, s2;
	p2 =	seq.s32 @!p0 s5, $0x0  }
0x1f: {  	s9 =	smul.u32 $0xF7A, s1;
	s8 =	simm.s32 @!p0 $0x1BF5;
	p2 =	por !p2, p0  }
0x20: {  	[sflag:s8] =	ssyncset.s32 @!p0 $0xFFFFF086;
	s6 =	sadd.s32 @!p0 s3, s7;
	s7 =	simm.s32 @!p0 $0x108  }
0x21: {  	s3 =	sadd.s32 s3, s9;
	s6 =	sadd.s32 @!p0 $0x88, s6;
	s7 =	simm.s32 @p2 $0x1082  }
0x22: {  	[simem:s7], [sflag:s8] =	dma.local @!p0 [hbm:s6], $0xF7A  }
0x23: {  	s9 =	sor.u32 $0xD0000000, s2;
	s6 =	simm.s32 $0x108;
	_ =	swait.ge @!p0 [sflag:s8], $0x0  }
0x24: {  	s3 =	sadd.s32 $0x88, s3;
	s6 =	simm.s32 @!p1 $0x1082;
	[sflag:s4] =	ssyncset.s32 $0xFFFFF086  }
0x25: {  	[simem:s6], [sflag:s4] =	dma.local [hbm:s3], $0xF7A  }
0x26: {  	[smem:$0x3F9D] =	sst s1;
	(tag) =	ssettag s2;
	_ =	strace s9  }
0x27: {  	s1 =	sld [smem:$0x3FAD]  }
0x28: {  	s2 =	sld [smem:$0x3FAE]  }
0x29: {  	s4 =	sld [smem:$0x3FB0]  }
0x2a: {  	p0 =	seq.s32 s5, $0x0;
	s5 =	sld [smem:$0x3FB1]  }
0x2b: {  	s6 =	sld [smem:$0x3FB2]  }
0x2c: {  	s7 =	sld [smem:$0x3FB3]  }
0x2d: {  	s3 =	simm.s32 $0x108;
	s8 =	sld [smem:$0x3FB4]  }
0x2e: {  	s3 =	simm.s32 @!p0 $0x1082;
	s9 =	sld [smem:$0x3FB5]  }
0x2f: {  	lr =	sadd.s32 s0, s3;
	s0 =	sld [smem:$0x3FAC]  }
0x30: {  	s3 =	sld [smem:$0x3FAF]  }
0x31: {  	[smem:$0x3FB8] =	sst s10  }
0x32: {  	s10 =	sld [smem:$0x3FB6];
	_ =	sdelay $0x3  }
0x33: {  	p0 =	seq.s32 s10, $0x1;
	s10 =	sld [smem:$0x3FB8];
	_ =	sdelay $0x3  }
0x34: {  	[smem:$0x3FB8] =	sst s10  }
0x35: {  	s10 =	sld [smem:$0x3FB7];
	_ =	sdelay $0x3  }
0x36: {  	p1 =	seq.s32 s10, $0x1;
	s10 =	sld [smem:$0x3FB8];
	_ =	sdelay $0x3  }
0x37: {  	[smem:$0x3FB8] =	sst s10  }
0x38: {  	s10 =	sld [smem:$0x3FB9]  }
0x39: {  	_ = 	snop;
	(pc) =	sbr.ind lr, $3  }
0x3a: {  	_ = 	snop  }
0x3b: {  	_ = 	snop  }
0x3c: {  	p2 =	seq.s32 s10, $0x1;
	s10 =	sld [smem:$0x3FB8]  }
0x3d: {  	_ =	shalt  }
0x3e: {  	_ =	shalt  }
0x3f: {  	_ =	shalt  }
0x40: {  	_ =	shalt  }
0x41: {  	_ =	shalt  }
0x42: {  	_ =	shalt  }
0x43: {  	_ =	shalt  }
0x44: {  	_ =	shalt  }
0x45: {  	_ =	shalt  }
0x46: {  	_ =	shalt  }
0x47: {  	_ =	shalt  }
0x48: {  	_ =	shalt  }
0x49: {  	_ =	shalt  }
0x4a: {  	_ =	shalt  }
0x4b: {  	_ =	shalt  }
0x4c: {  	_ =	shalt  }
0x4d: {  	_ =	shalt  }
0x4e: {  	_ =	shalt  }
0x4f: {  	_ =	shalt  }
0x50: {  	_ =	shalt  }
0x51: {  	_ =	shalt  }
0x52: {  	_ =	shalt  }
0x53: {  	_ =	shalt  }
0x54: {  	_ =	shalt  }
0x55: {  	_ =	shalt  }
0x56: {  	_ =	shalt  }
0x57: {  	_ =	shalt  }
0x58: {  	_ =	shalt  }
0x59: {  	_ =	shalt  }
0x5a: {  	_ =	shalt  }
0x5b: {  	_ =	shalt  }
0x5c: {  	_ =	shalt  }
0x5d: {  	_ =	shalt  }
0x5e: {  	_ =	shalt  }
0x5f: {  	_ =	shalt  }
0x60: {  	_ =	shalt  }
0x61: {  	_ =	shalt  }
0x62: {  	_ =	shalt  }
0x63: {  	_ =	shalt  }
0x64: {  	_ =	shalt  }
0x65: {  	_ =	shalt  }
0x66: {  	_ =	shalt  }
0x67: {  	_ =	shalt  }
0x68: {  	_ =	shalt  }
0x69: {  	_ =	shalt  }
0x6a: {  	_ =	shalt  }
0x6b: {  	_ =	shalt  }
0x6c: {  	_ =	shalt  }
0x6d: {  	_ =	shalt  }
0x6e: {  	_ =	shalt  }
0x6f: {  	_ =	shalt  }
0x70: {  	_ =	shalt  }
0x71: {  	_ =	shalt  }
0x72: {  	_ =	shalt  }
0x73: {  	_ =	shalt  }
0x74: {  	_ =	shalt  }
0x75: {  	_ =	shalt  }
0x76: {  	_ =	shalt  }
0x77: {  	_ =	shalt  }
0x78: {  	_ =	shalt  }
0x79: {  	_ =	shalt  }
0x7a: {  	_ =	shalt  }
0x7b: {  	_ =	shalt  }
0x7c: {  	_ =	shalt  }
0x7d: {  	_ =	shalt  }
0x7e: {  	_ =	shalt  }
0x7f: {  	_ =	shalt  }
0x80: {  	_ =	shalt  }
0x81: {  	_ =	shalt  }
0x82: {  	_ =	shalt  }
0x83: {  	_ =	shalt  }
0x84: {  	_ =	shalt  }
0x85: {  	_ =	shalt  }
0x86: {  	_ =	shalt  }
0x87: {  	_ =	shalt  }
.Lfunc_end0:
.L_simem_size_0:
called_computation_lowered:
.L_overlay_start_0:
0x88: {  	s2 =	sld [smem:$0x3FD9]  }
0x89: {  	s3 =	sld [smem:$0x3FFE];
	_ =	sdelay $0x1  }
0x8a: {  	s1 =	srdreg.scid  }
0x8b: {  	s0 =	sand.u32 $0x1, s1  }
0x8c: {  	s17 =	sshll.u32 s0, $0xA;
	s2 =	sadd.s32 s3, s2  }
0x8d: {  	s2 =	sadd.s32 s2, s17  }
0x8e: {  	[smem:$0x3FC4] =	sst s2  }
0x8f: {  	_ = 	snop  }
0x90: {  	s2 =	sld [smem:$0x3FC7]  }
0x91: {  	s18 =	sld [smem:$0x3FC6]  }
0x92: {  	s4 =	sld [smem:$0x3FD0];
	(tm) =	ssettm $0x1  }
0x93: {  	s5 =	sld [smem:$0x3FFB];
	_ =	sdelay $0x3  }
0x94: {  	_ =	strace s5  }
0x95: {  	s5 =	sld [smem:$0x3FFC];
	_ =	sdelay $0x3  }
0x96: {  	_ =	strace s5  }
0x97: {  	s5 =	sld [smem:$0x3FFD];
	_ =	sdelay $0x3  }
0x98: {  	_ =	strace s5  }
0x99: {  	_ =	strace $0x8FFFFFFF  }
0x9a: {  	s19 =	sld [smem:$0x3FDB];
	_ =	sdelay $0x1  }
0x9b: {  	s6 =	simm.s32 $_scs_section_size  }
0x9c: {  	s7 =	simm.s32 $_size__tile_overlayer_lowered;
	s8 =	simm.s32 $_tile_overlayer_lowered  }
0x9d: {  	s22 =	simm.s32 $0x1BFF;
	s21 =	sshll.u32 s8, $0x1;
	s5 =	sadd.s32 s6, s19  }
0x9e: {  	s9 =	simm.s32 $0x0;
	s20 =	sshll.u32 s7, $0x1;
	s7 =	sadd.s32 s21, s5  }
0x9f: {  	[timem:s9], [sflag:s22] =	dma.local [hbm:s7], s20  }
0xa0: {  	_ =	swait.ge [sflag:s22], s20  }
0xa1: {  	s6 =	ssub.s32 $0x0, s20;
	[sflag:s22] =	ssyncset.done $0x0  }
0xa2: {  	[sflag:s22] =	ssyncadd.s32 s6;
	_ =	sdelay $0x1  }
0xa3: {  	s23 =	simm.s32 $0x1B8B  }
0xa4: {  	_ =	swait.ge [sflag:s23], $0x1  }
0xa5: {  	[sflag:s23] =	ssyncset.done $0x0  }
0xa6: {  	s25 =	simm.s32 $0x1B8E;
	s24 =	sld [smem:$0x3FFE];
	[sflag:s23] =	ssyncadd.s32 $0xFFFFFFFF  }
0xa7: {  	s26 =	simm.s32 $execute0_lowered;
	[smem:$0x3FD2] =	sst s25  }
0xa8: {  	s7 =	sshll.u32 s26, $0x1;
	_ =	strace $0x80000046;
	[dreg:$0x1] =	wrdreg $0xFFFFFFFF  }
0xa9: {  	s28 =	simm.s32 $_size_execute0_lowered;
	s5 =	sadd.s32 s5, s7;
	[dreg:$0x0] =	wrdreg $0x0  }
0xaa: {  	s7 =	sshll.u32 s28, $0x1;
	[dreg:$0x2] =	wrdreg s5  }
0xab: {  	[dreg:$0x3] =	wrdreg s7  }
0xac: {  	[dreg:$0x4] =	wrdreg $0xC0  }
0xad: {  	_ =	task [dreg:s9], $0x5FFFF  }
0xae: {  	[dreg:$0x1] =	wrdreg $0xFFFFFFFF  }
0xaf: {  	[dreg:$0x0] =	wrdreg $0x60  }
0xb0: {  	[dreg:$0x2] =	wrdreg s24  }
0xb1: {  	[dreg:$0x3] =	wrdreg s2  }
0xb2: {  	[dreg:$0x4] =	wrdreg s18  }
0xb3: {  	[dreg:$0x5] =	wrdreg s4  }
0xb4: {  	[dreg:$0x6] =	wrdreg $0x9  }
0xb5: {  	_ =	task.clear_ibuf [dreg:s9], $0x7FFFF;
	_ =	strace $0x90000046  }
0xb6: {  	s29 =	simm.s32 $0x9;
	_ =	strace $0x80000048  }
0xb7: {  	_ =	swait.ge [sflag:s29], $0x1  }
0xb8: {  	[sflag:s29] =	ssyncadd.s32 $0xFFFFFFFF  }
0xb9: {  	_ =	strace $0x90000048  }
0xba: {  	_ =	sfence  }
0xbb: {  	s30 =	sld [smem:$0x0];
	_ =	sdelay $0x2  }
0xbc: {  	s31 =	sshll.u32 s1, $0xD;
	s1 =	sshrl.u32 s1, $0x2  }
0xbd: {  	s3 =	sand.u32 $0x4000, s31;
	s1 =	sadd.s32 s1, s30  }
0xbe: {  	s0 =	sor.u32 s3, s0;
	s1 =	sshll.u32 s1, $0x11  }
0xbf: {  	s0 =	sor.u32 s1, s0  }
0xc0: {  	s0 =	sadd.s32 $0x8F2B, s0  }
0xc1: {  	[sflag:s0] =	ssyncadd.remote.s32 $0x1  }
0xc2: {  	_ =	sfence.sel $0xFFFF  }
0xc3: {  	[dreg:$0x0] =	wrdreg $0xFFFFFFFF;
	(pc) =	sbr.abs _section_cstart, $3  }
0xc4: {  	[dreg:$0x1] =	wrdreg $0xFFFFFFFF  }
0xc5: {  	_ =	task.clear_ibuf [dreg:s9], $0x2FFFF;
	_ =	strace $0x9FFFFFFF  }
0xc6: {  	(tm) =	ssettm $0x7FFFFFFF  }
0xc7: {  	_ =	shalt  }
tec
execute0_lowered:
.L_overlay_start_1:
0x0: {  	(tag) =	ssettag $0x1  }
0x1: {  	s0 =	rddreg [dreg:$0x0]  }
0x2: {  	s1 =	rddreg [dreg:$0x1]  }
0x3: {  	s2 =	srdreg.scid;
	s3 =	rddreg [dreg:$0x2]  }
0x4: {  	s7 =	stileid.u32;
	s5 =	rddreg [dreg:$0x3]  }
0x5: {  	s10 =	simm.s32 $0x400;
	s11 =	simm.s32 $0x9;
	s12 =	simm.s32 $0x200  }
0x6: {  	s14 =	simm.s32 $0x8400;
	s15 =	simm.s32 $0x2400;
	s16 =	simm.s32 $0xA400  }
0x7: {  	s17 =	simm.s32 $0x4400;
	s18 =	simm.s32 $0xC400;
	s19 =	simm.s32 $0x6400  }
0x8: {  	s20 =	simm.s32 $0xE400;
	s21 =	simm.s32 $0x1;
	s22 =	simm.s32 $0x5  }
0x9: {  	s23 =	simm.s32 $0x2;
	s2 =	sand.u32 $0x1, s2;
	s4 =	sshll.u32 s7, $0x1  }
0xa: {  	s24 =	simm.s32 $0x6;
	s28 =	simm.s32 $0x4;
	s6 =	sor.u32 s2, s4  }
0xb: {  	s7 =	sshll.u32 s7, $0x7;
	s2 =	ssub.s32 $0x2, s2;
	s8 =	sshll.u32 s6, $0x4  }
0xc: {  	s29 =	simm.s32 $0x8;
	s25 =	sshrl.u32 s2, $0x1;
	s7 =	sor.u32 s7, s8  }
0xd: {  	s4 =	simm.s32 $0x0;
	s2 =	ssub.s32 s2, s25;
	s7 =	sand.u32 $0x670, s7  }
0xe: {  	[smem:$0x7FF] =	sst s4;
	s30 =	smax.u32 s2, $0x1;
	s0 =	sadd.s32 s7, s0  }
0xf: {  	v0 =	vlaneseq.u32;
	_ =	strace $0x80000047;
	[dreg:$0x8] =	wrdreg s30;
	s7 =	sadd.s32 $0x400, s0  }
0x10: {  	v1 =	vmul.u32 $0x80, v0;
	s26 =	sshll.u32 s6, $0x6;
	s0 =	sadd.s32 $0xC00, s0;
	[dreg:$0x5] =	wrdreg s7  }
0x11: {  	v2 =	vimm.s32 $0x1;
	v3 =	vimm.s32 $0x2;
	v4 =	vimm.s32 $0x3;
	s31 =	simm.s32 $0x0;
	[dreg:$0x6] =	wrdreg s0;
	s0 =	sadd.s32 s5, s26  }
0x12: {  	v5 =	vor.u32 $0x800, v1;
	v6 =	vor.u32 $0x1000, v1;
	v7 =	vor.u32 $0x1800, v1;
	s25 =	simm.s32 $0x3;
	s26 =	simm.s32 $0x7;
	[dreg:$0x7] =	wrdreg s0  }
.LBB2_1:
0x13: {  	s0 =	rddreg [dreg:$0x5];
	s2 =	simm.s32 $0x80  }
0x14: {  	[tilespmem:s4], [sflag:$0x9] =	stream.strided.gather [hbm4b:s0+s2], $0x200, s10, s2, $0x38;
	[tilespmem:$0x10600] =	vst v63  }
0x15: {  	_ =	swait.ge [sflag:s11], $0x200  }
0x16: {  	[sflag:s11] =	ssyncset.done $0x0  }
0x17: {  	s8 =	rddreg [dreg:$0x6];
	[sflag:s11] =	ssyncadd.s32 $0xFFFFFE00  }
0x18: {  	[tilespmem:s12], [sflag:$0x9] =	stream.strided.gather [hbm4b:s8+s2], $0x200, s10, s2, $0x38;
	[tilespmem:$0x10600] =	vst v63  }
0x19: {  	_ =	swait.ge [sflag:s11], $0x200  }
0x1a: {  	[sflag:s11] =	ssyncset.done $0x0  }
0x1b: {  	[sflag:s11] =	ssyncadd.s32 $0xFFFFFE00  }
0x1c: {  	v8 =	vld.msk [tilespmem:s4+$0x0], $0xffff;
	_ =	sdelay $0x4  }
0x1d: {  	(v2sf) =	vpush v8, $0x0;
	_ =	sdelay $0xe  }
0x1e: {  	s9 =	spop (v2sf)  }
0x1f: {  	s0 =	sand.u32 $0xFFFFF80, s9  }
0x20: {  	s2 =	simm.s32 $0x7A1400;
	s0 =	sadd.s32 s1, s0  }
0x21: {  	[tilespmem:s10], [sflag:$0x1] =	stream.strided.gather [hbm4b:s0+s10], $0x2000, s2, s10, $0x38;
	[tilespmem:$0x10600] =	vst v63  }
0x22: {  	v8 =	vld.msk [tilespmem:s12+$0x0], $0xffff;
	_ =	sdelay $0x4  }
0x23: {  	(v2sf) =	vpush v8, $0x0;
	_ =	sdelay $0xe  }
0x24: {  	s13 =	spop (v2sf)  }
0x25: {  	s0 =	sand.u32 $0xFFFFF80, s13  }
0x26: {  	s0 =	sadd.s32 s3, s0  }
0x27: {  	[tilespmem:s14], [sflag:$0x5] =	stream.strided.gather [hbm4b:s0+s10], $0x2000, s2, s10, $0x38;
	[tilespmem:$0x10600] =	vst v63  }
0x28: {  	v8 =	vld.idx.msk [tilespmem:v2+s4+$0x0], $0xffff;
	_ =	sdelay $0x4  }
0x29: {  	(v2sf) =	vpush v8, $0x0;
	_ =	sdelay $0xe  }
0x2a: {  	s5 =	spop (v2sf)  }
0x2b: {  	s0 =	sand.u32 $0xFFFFF80, s5  }
0x2c: {  	s0 =	sadd.s32 s1, s0  }
0x2d: {  	[tilespmem:s15], [sflag:$0x2] =	stream.strided.gather [hbm4b:s0+s10], $0x2000, s2, s10, $0x38;
	[tilespmem:$0x10600] =	vst v63  }
0x2e: {  	v8 =	vld.idx.msk [tilespmem:v2+s12+$0x0], $0xffff;
	_ =	sdelay $0x4  }
0x2f: {  	(v2sf) =	vpush v8, $0x0;
	_ =	sdelay $0xe  }
0x30: {  	s6 =	spop (v2sf)  }
0x31: {  	s0 =	sand.u32 $0xFFFFF80, s6  }
0x32: {  	s0 =	sadd.s32 s3, s0  }
0x33: {  	[tilespmem:s16], [sflag:$0x6] =	stream.strided.gather [hbm4b:s0+s10], $0x2000, s2, s10, $0x38;
	[tilespmem:$0x10600] =	vst v63  }
0x34: {  	v8 =	vld.idx.msk [tilespmem:v3+s4+$0x0], $0xffff;
	_ =	sdelay $0x4  }
0x35: {  	(v2sf) =	vpush v8, $0x0;
	_ =	sdelay $0xe  }
0x36: {  	s7 =	spop (v2sf)  }
0x37: {  	s0 =	sand.u32 $0xFFFFF80, s7  }
0x38: {  	s0 =	sadd.s32 s1, s0  }
0x39: {  	[tilespmem:s17], [sflag:$0x3] =	stream.strided.gather [hbm4b:s0+s10], $0x2000, s2, s10, $0x38;
	[tilespmem:$0x10600] =	vst v63  }
0x3a: {  	v8 =	vld.idx.msk [tilespmem:v3+s12+$0x0], $0xffff;
	_ =	sdelay $0x4  }
0x3b: {  	(v2sf) =	vpush v8, $0x0;
	_ =	sdelay $0xe  }
0x3c: {  	s8 =	spop (v2sf)  }
0x3d: {  	s0 =	sand.u32 $0xFFFFF80, s8  }
0x3e: {  	s0 =	sadd.s32 s3, s0  }
0x3f: {  	[tilespmem:s18], [sflag:$0x7] =	stream.strided.gather [hbm4b:s0+s10], $0x2000, s2, s10, $0x38;
	[tilespmem:$0x10600] =	vst v63  }
0x40: {  	v8 =	vld.idx.msk [tilespmem:v4+s4+$0x0], $0xffff;
	_ =	sdelay $0x4  }
0x41: {  	(v2sf) =	vpush v8, $0x0;
	_ =	sdelay $0xe  }
0x42: {  	s9 =	spop (v2sf)  }
0x43: {  	s0 =	sand.u32 $0xFFFFF80, s9  }
0x44: {  	s0 =	sadd.s32 s1, s0  }
0x45: {  	[tilespmem:s19], [sflag:$0x4] =	stream.strided.gather [hbm4b:s0+s10], $0x2000, s2, s10, $0x38;
	[tilespmem:$0x10600] =	vst v63  }
0x46: {  	v8 =	vld.idx.msk [tilespmem:v4+s12+$0x0], $0xffff;
	_ =	sdelay $0x4  }
0x47: {  	(v2sf) =	vpush v8, $0x0;
	_ =	sdelay $0xe  }
0x48: {  	s13 =	spop (v2sf)  }
0x49: {  	s0 =	sand.u32 $0xFFFFF80, s13  }
0x4a: {  	s0 =	sadd.s32 s3, s0  }
0x4b: {  	[tilespmem:s20], [sflag:$0x8] =	stream.strided.gather [hbm4b:s0+s10], $0x2000, s2, s10, $0x38;
	[tilespmem:$0x10600] =	vst v63  }
0x4c: {  	s30 =	simm.s32 $0x0;
	v8 =	vimm.f32 $0.0e+00;
	s2 =	simm.s32 $0x0;
	s0 =	simm.s32 $0x0  }
.LBB2_2:
0x4d: {  	p0 =	seq.s32 s0, $0x1FC  }
0x4e: {  	s5 =	sadd.s32 @!p0 $0x4, s0  }
0x4f: {  	v9 =	vmov @!p0 s5  }
0x50: {  	v9 =	vand.u32 @!p0 $0xFFFFFFFC, v9  }
0x51: {  	_ =	swait.ge [sflag:s21], $0x2000;
	v9 =	vbroadcast @!p0 v9, $0x0  }
0x52: {  	[sflag:s21] =	ssyncset.done $0x0  }
0x53: {  	v10 =	vmov s0;
	[sflag:s21] =	ssyncadd.s32 $0xFFFFE000  }
0x54: {  	v10 =	vand.u32 $0xFFFFFFFC, v10;
	_ =	swait.ge [sflag:s22], $0x2000  }
0x55: {  	v10 =	vbroadcast v10, $0x0;
	[sflag:s22] =	ssyncset.done $0x0  }
0x56: {  	s6 =	simm.s32 @!p0 $0x0;
	[sflag:s22] =	ssyncadd.s32 $0xFFFFE000  }
0x57: {  	v11 =	vld.idx.msk @!p0 [tilespmem:v9+s6+$0x0], $0xffff;
	_ =	sdelay $0x3  }
0x58: {  	v12 =	vld.idx.msk [tilespmem:v10+s4+$0x0], $0xffff  }
0x59: {  	v10 =	vld.idx.msk [tilespmem:v10+s12+$0x0], $0xffff;
	(v2sf) =	vpush @!p0 v11, $0x0;
	_ =	sdelay $0x4  }
0x5a: {  	v10 =	vand.u32 $0x7F, v10  }
0x5b: {  	v13 =	vor.u32 v1, v10  }
0x5c: {  	v15 =	vor.u32 v5, v10  }
0x5d: {  	v17 =	vor.u32 v6, v10  }
0x5e: {  	v10 =	vor.u32 v7, v10;
	v11 =	vand.u32 $0x7F, v12  }
0x5f: {  	v12 =	vor.u32 v1, v11  }
0x60: {  	v14 =	vor.u32 v5, v11;
	v13 =	vld.idx.msk [tilespmem:v13+s14+$0x0], $0xffff  }
0x61: {  	v16 =	vor.u32 v6, v11;
	v15 =	vld.idx.msk [tilespmem:v15+s14+$0x0], $0xffff  }
0x62: {  	v11 =	vor.u32 v7, v11;
	v17 =	vld.idx.msk [tilespmem:v17+s14+$0x0], $0xffff  }
0x63: {  	v10 =	vld.idx.msk [tilespmem:v10+s14+$0x0], $0xffff  }
0x64: {  	v12 =	vld.idx.msk [tilespmem:v12+s10+$0x0], $0xffff;
	s5 =	spop @!p0 (v2sf)  }
0x65: {  	v14 =	vld.idx.msk [tilespmem:v14+s10+$0x0], $0xffff;
	s5 =	sand.u32 @!p0 $0xFFFFF80, s5  }
0x66: {  	s9 =	simm.s32 @!p0 $0x7A1400;
	v16 =	vld.idx.msk [tilespmem:v16+s10+$0x0], $0xffff;
	s7 =	sadd.s32 @!p0 s1, s5;
	s5 =	simm.s32 @!p0 $0x400  }
0x67: {  	v11 =	vld.idx.msk [tilespmem:v11+s10+$0x0], $0xffff;
	[tilespmem:s5], [sflag:$0x1] =	stream.strided.gather @!p0 [hbm4b:s7+s5], $0x2000, s9, s5, $0x38  }
0x68: {  	s7 =	simm.s32 @!p0 $0x200  }
0x69: {  	v9 =	vld.idx.msk @!p0 [tilespmem:v9+s7+$0x0], $0xffff;
	_ =	sdelay $0x2  }
0x6a: {  	v12 =	vmul.f32 v13, v12;
	_ =	sdelay $0x1  }
0x6b: {  	v31 =	vmul.f32 v15, v14;
	v12 =	vadd.f32 $0.0e+00, v12;
	(v2sf) =	vpush @!p0 v9, $0x0;
	_ =	sdelay $0x1  }
0x6c: {  	v32 =	vmul.f32 v17, v16;
	v9 =	vadd.f32 v31, v12;
	_ =	sdelay $0x1  }
0x6d: {  	v10 =	vmul.f32 v10, v11;
	v9 =	vadd.f32 v32, v9;
	_ =	sdelay $0x1  }
0x6e: {  	v9 =	vadd.f32 v10, v9;
	_ =	sdelay $0x1  }
0x6f: {  	(xrf2) =	vadd.scan.msk.f32 $0xffff, v9;
	_ =	sdelay $0x6  }
0x70: {  	s8 =	spop @!p0 (v2sf)  }
0x71: {  	s13 =	sadd.s32 @!p0 $0x5, s0;
	s8 =	sand.u32 @!p0 $0xFFFFF80, s8  }
0x72: {  	v10 =	vmov @!p0 s13;
	s13 =	simm.s32 @!p0 $0x8400;
	s8 =	sadd.s32 @!p0 s3, s8  }
0x73: {  	v10 =	vand.u32 @!p0 $0xFFFFFFFD, v10;
	v9, _, _ =	vpop (xrf2);
	[tilespmem:s13], [sflag:$0x5] =	stream.strided.gather @!p0 [hbm4b:s8+s5], $0x2000, s9, s5, $0x38;
	[tilespmem:$0x10600] =	vst v63  }
0x74: {  	v10 =	vbroadcast @!p0 v10, $0x0;
	_ =	swait.ge [sflag:s23], $0x2000  }
0x75: {  	[sflag:s23] =	ssyncset.done $0x0  }
0x76: {  	s13 =	sadd.s32 $0x1, s0;
	[sflag:s23] =	ssyncadd.s32 $0xFFFFE000  }
0x77: {  	v11 =	vmov s13;
	_ =	swait.ge [sflag:s24], $0x2000  }
0x78: {  	v11 =	vand.u32 $0xFFFFFFFD, v11;
	[sflag:s24] =	ssyncset.done $0x0  }
0x79: {  	v11 =	vbroadcast v11, $0x0;
	[sflag:s24] =	ssyncadd.s32 $0xFFFFE000  }
0x7a: {  	v12 =	vld.idx.msk @!p0 [tilespmem:v10+s6+$0x0], $0xffff;
	_ =	sdelay $0x4  }
0x7b: {  	v33 =	vld.idx.msk [tilespmem:v11+s4+$0x0], $0xffff;
	(v2sf) =	vpush @!p0 v12, $0x0  }
0x7c: {  	v11 =	vld.idx.msk [tilespmem:v11+s12+$0x0], $0xffff;
	_ =	sdelay $0x3  }
0x7d: {  	v34 =	vand.u32 $0x7F, v33  }
0x7e: {  	v11 =	vand.u32 $0x7F, v11;
	v13 =	vor.u32 v1, v34  }
0x7f: {  	v35 =	vor.u32 v1, v11  }
0x80: {  	v36 =	vor.u32 v5, v34  }
0x81: {  	v37 =	vor.u32 v5, v11  }
0x82: {  	v38 =	vor.u32 v6, v34  }
0x83: {  	v18 =	vor.u32 v6, v11;
	v13 =	vld.idx.msk [tilespmem:v13+s15+$0x0], $0xffff  }
0x84: {  	v12 =	vor.u32 v7, v34;
	v14 =	vld.idx.msk [tilespmem:v35+s16+$0x0], $0xffff  }
0x85: {  	v11 =	vor.u32 v7, v11;
	v15 =	vld.idx.msk [tilespmem:v36+s15+$0x0], $0xffff  }
0x86: {  	v16 =	vld.idx.msk [tilespmem:v37+s16+$0x0], $0xffff  }
0x87: {  	v17 =	vld.idx.msk [tilespmem:v38+s15+$0x0], $0xffff;
	s8 =	spop @!p0 (v2sf)  }
0x88: {  	v18 =	vld.idx.msk [tilespmem:v18+s16+$0x0], $0xffff;
	s8 =	sand.u32 @!p0 $0xFFFFF80, s8  }
0x89: {  	s13 =	simm.s32 @!p0 $0x2400;
	v12 =	vld.idx.msk [tilespmem:v12+s15+$0x0], $0xffff;
	s8 =	sadd.s32 @!p0 s1, s8  }
0x8a: {  	v11 =	vld.idx.msk [tilespmem:v11+s16+$0x0], $0xffff;
	[tilespmem:s13], [sflag:$0x2] =	stream.strided.gather @!p0 [hbm4b:s8+s5], $0x2000, s9, s5, $0x38  }
0x8b: {  	v10 =	vld.idx.msk @!p0 [tilespmem:v10+s7+$0x0], $0xffff;
	_ =	sdelay $0x2  }
0x8c: {  	v13 =	vmul.f32 v14, v13;
	_ =	sdelay $0x1  }
0x8d: {  	v39 =	vmul.f32 v16, v15;
	v13 =	vadd.f32 $0.0e+00, v13;
	(v2sf) =	vpush @!p0 v10, $0x0;
	_ =	sdelay $0x1  }
0x8e: {  	v40 =	vmul.f32 v18, v17;
	v10 =	vadd.f32 v39, v13;
	_ =	sdelay $0x1  }
0x8f: {  	v11 =	vmul.f32 v11, v12;
	v10 =	vadd.f32 v40, v10;
	_ =	sdelay $0x1  }
0x90: {  	v10 =	vadd.f32 v11, v10;
	_ =	sdelay $0x1  }
0x91: {  	(xrf2) =	vadd.scan.msk.f32 $0xffff, v10;
	_ =	sdelay $0x6  }
0x92: {  	s8 =	spop @!p0 (v2sf)  }
0x93: {  	s13 =	sadd.s32 @!p0 $0x6, s0;
	s8 =	sand.u32 @!p0 $0xFFFFF80, s8  }
0x94: {  	v10 =	vmov @!p0 s13;
	s13 =	simm.s32 @!p0 $0xA400;
	s8 =	sadd.s32 @!p0 s3, s8  }
0x95: {  	v10 =	vand.u32 @!p0 $0xFFFFFFFE, v10;
	v11, _, _ =	vpop (xrf2);
	[tilespmem:s13], [sflag:$0x6] =	stream.strided.gather @!p0 [hbm4b:s8+s5], $0x2000, s9, s5, $0x38;
	[tilespmem:$0x10600] =	vst v63  }
0x96: {  	v10 =	vbroadcast @!p0 v10, $0x0;
	_ =	swait.ge [sflag:s25], $0x2000  }
0x97: {  	[sflag:s25] =	ssyncset.done $0x0  }
0x98: {  	s13 =	sadd.s32 $0x2, s0;
	[sflag:s25] =	ssyncadd.s32 $0xFFFFE000  }
0x99: {  	v41 =	vmov s13;
	_ =	swait.ge [sflag:s26], $0x2000  }
0x9a: {  	v12 =	vand.u32 $0xFFFFFFFE, v41;
	[sflag:s26] =	ssyncset.done $0x0  }
0x9b: {  	v12 =	vbroadcast v12, $0x0;
	[sflag:s26] =	ssyncadd.s32 $0xFFFFE000  }
0x9c: {  	v13 =	vld.idx.msk @!p0 [tilespmem:v10+s6+$0x0], $0xffff;
	_ =	sdelay $0x4  }
0x9d: {  	v42 =	vld.idx.msk [tilespmem:v12+s4+$0x0], $0xffff;
	(v2sf) =	vpush @!p0 v13, $0x0  }
0x9e: {  	v12 =	vld.idx.msk [tilespmem:v12+s12+$0x0], $0xffff;
	_ =	sdelay $0x3  }
0x9f: {  	v43 =	vand.u32 $0x7F, v42  }
0xa0: {  	v12 =	vand.u32 $0x7F, v12;
	v14 =	vor.u32 v1, v43  }
0xa1: {  	v44 =	vor.u32 v1, v12  }
0xa2: {  	v45 =	vor.u32 v5, v43  }
0xa3: {  	v46 =	vor.u32 v5, v12  }
0xa4: {  	v47 =	vor.u32 v6, v43  }
0xa5: {  	v19 =	vor.u32 v6, v12;
	v14 =	vld.idx.msk [tilespmem:v14+s17+$0x0], $0xffff  }
0xa6: {  	v13 =	vor.u32 v7, v43;
	v15 =	vld.idx.msk [tilespmem:v44+s18+$0x0], $0xffff  }
0xa7: {  	v12 =	vor.u32 v7, v12;
	v16 =	vld.idx.msk [tilespmem:v45+s17+$0x0], $0xffff  }
0xa8: {  	v17 =	vld.idx.msk [tilespmem:v46+s18+$0x0], $0xffff  }
0xa9: {  	v18 =	vld.idx.msk [tilespmem:v47+s17+$0x0], $0xffff;
	s8 =	spop @!p0 (v2sf)  }
0xaa: {  	v19 =	vld.idx.msk [tilespmem:v19+s18+$0x0], $0xffff;
	s8 =	sand.u32 @!p0 $0xFFFFF80, s8  }
0xab: {  	s13 =	simm.s32 @!p0 $0x4400;
	v13 =	vld.idx.msk [tilespmem:v13+s17+$0x0], $0xffff;
	s8 =	sadd.s32 @!p0 s1, s8  }
0xac: {  	v12 =	vld.idx.msk [tilespmem:v12+s18+$0x0], $0xffff;
	[tilespmem:s13], [sflag:$0x3] =	stream.strided.gather @!p0 [hbm4b:s8+s5], $0x2000, s9, s5, $0x38  }
0xad: {  	v10 =	vld.idx.msk @!p0 [tilespmem:v10+s7+$0x0], $0xffff;
	_ =	sdelay $0x2  }
0xae: {  	v14 =	vmul.f32 v15, v14;
	_ =	sdelay $0x1  }
0xaf: {  	v48 =	vmul.f32 v17, v16;
	v14 =	vadd.f32 $0.0e+00, v14;
	(v2sf) =	vpush @!p0 v10, $0x0;
	_ =	sdelay $0x1  }
0xb0: {  	v49 =	vmul.f32 v19, v18;
	v10 =	vadd.f32 v48, v14;
	_ =	sdelay $0x1  }
0xb1: {  	v12 =	vmul.f32 v12, v13;
	v10 =	vadd.f32 v49, v10;
	_ =	sdelay $0x1  }
0xb2: {  	v10 =	vadd.f32 v12, v10;
	_ =	sdelay $0x1  }
0xb3: {  	(xrf2) =	vadd.scan.msk.f32 $0xffff, v10;
	_ =	sdelay $0x6  }
0xb4: {  	s8 =	spop @!p0 (v2sf)  }
0xb5: {  	s8 =	sand.u32 @!p0 $0xFFFFF80, s8  }
0xb6: {  	s13 =	simm.s32 @!p0 $0xC400;
	s8 =	sadd.s32 @!p0 s3, s8  }
0xb7: {  	v10, _, _ =	vpop (xrf2);
	[tilespmem:s13], [sflag:$0x7] =	stream.strided.gather @!p0 [hbm4b:s8+s5], $0x2000, s9, s5, $0x38;
	[tilespmem:$0x10600] =	vst v63  }
0xb8: {  	s8 =	sadd.s32 @!p0 $0x7, s0;
	_ =	swait.ge [sflag:s28], $0x2000  }
0xb9: {  	v12 =	vmov @!p0 s8;
	[sflag:s28] =	ssyncset.done $0x0  }
0xba: {  	[sflag:s28] =	ssyncadd.s32 $0xFFFFE000  }
0xbb: {  	_ =	swait.ge [sflag:s29], $0x2000  }
0xbc: {  	[sflag:s29] =	ssyncset.done $0x0  }
0xbd: {  	s13 =	sadd.s32 $0x3, s0;
	[sflag:s29] =	ssyncadd.s32 $0xFFFFE000  }
0xbe: {  	v50 =	vmov s13;
	v14 =	vld.idx.msk @!p0 [tilespmem:v12+s6+$0x0], $0xffff;
	_ =	sdelay $0x4  }
0xbf: {  	v51 =	vld.idx.msk [tilespmem:v50+s4+$0x0], $0xffff;
	(v2sf) =	vpush @!p0 v14, $0x0  }
0xc0: {  	v13 =	vld.idx.msk [tilespmem:v50+s12+$0x0], $0xffff;
	_ =	sdelay $0x3  }
0xc1: {  	v52 =	vand.u32 $0x7F, v51  }
0xc2: {  	v13 =	vand.u32 $0x7F, v13;
	v15 =	vor.u32 v1, v52  }
0xc3: {  	v53 =	vor.u32 v1, v13  }
0xc4: {  	v54 =	vor.u32 v5, v52  }
0xc5: {  	v55 =	vor.u32 v5, v13  }
0xc6: {  	v56 =	vor.u32 v6, v52  }
0xc7: {  	v20 =	vor.u32 v6, v13;
	v15 =	vld.idx.msk [tilespmem:v15+s19+$0x0], $0xffff  }
0xc8: {  	v14 =	vor.u32 v7, v52;
	v16 =	vld.idx.msk [tilespmem:v53+s20+$0x0], $0xffff  }
0xc9: {  	v13 =	vor.u32 v7, v13;
	v17 =	vld.idx.msk [tilespmem:v54+s19+$0x0], $0xffff  }
0xca: {  	v18 =	vld.idx.msk [tilespmem:v55+s20+$0x0], $0xffff  }
0xcb: {  	v19 =	vld.idx.msk [tilespmem:v56+s19+$0x0], $0xffff;
	s6 =	spop @!p0 (v2sf)  }
0xcc: {  	v20 =	vld.idx.msk [tilespmem:v20+s20+$0x0], $0xffff;
	s6 =	sand.u32 @!p0 $0xFFFFF80, s6  }
0xcd: {  	s8 =	simm.s32 @!p0 $0x6400;
	v14 =	vld.idx.msk [tilespmem:v14+s19+$0x0], $0xffff;
	s6 =	sadd.s32 @!p0 s1, s6  }
0xce: {  	v13 =	vld.idx.msk [tilespmem:v13+s20+$0x0], $0xffff;
	[tilespmem:s8], [sflag:$0x4] =	stream.strided.gather @!p0 [hbm4b:s6+s5], $0x2000, s9, s5, $0x38  }
0xcf: {  	v12 =	vld.idx.msk @!p0 [tilespmem:v12+s7+$0x0], $0xffff;
	_ =	sdelay $0x2  }
0xd0: {  	v15 =	vmul.f32 v16, v15;
	_ =	sdelay $0x1  }
0xd1: {  	v57 =	vmul.f32 v18, v17;
	v58 =	vadd.f32 $0.0e+00, v15;
	(v2sf) =	vpush @!p0 v12, $0x0;
	_ =	sdelay $0x1  }
0xd2: {  	v59 =	vmul.f32 v20, v19;
	v12 =	vadd.f32 v57, v58;
	_ =	sdelay $0x1  }
0xd3: {  	v13 =	vmul.f32 v13, v14;
	v12 =	vadd.f32 v59, v12;
	_ =	sdelay $0x1  }
0xd4: {  	v12 =	vadd.f32 v13, v12;
	_ =	sdelay $0x1  }
0xd5: {  	(xrf2) =	vadd.scan.msk.f32 $0xffff, v12;
	_ =	sdelay $0x3  }
0xd6: {  	s6 =	sand.u32 $0x3, s30  }
0xd7: {  	s7 =	sshll.u32 s6, $0x2  }
0xd8: {  	s13 =	sor.u32 $0x1, s7  }
0xd9: {  	s8 =	sor.u32 $0x2, s7;
	v60 =	vmov s13;
	s13 =	spop @!p0 (v2sf)  }
0xda: {  	v9 =	vbroadcast v9, $0xF;
	v62 =	vmov s7;
	s7 =	sor.u32 $0x3, s7;
	v61 =	vmov s8;
	s8 =	sand.u32 @!p0 $0xFFFFF80, s13  }
0xdb: {  	v11 =	vbroadcast v11, $0xF;
	p1 =	sne.s32 @!p0 s6, $0x3;
	vm0 =	veq.s32 v62, v0;
	v63 =	vmov s7;
	s7 =	sadd.s32 @!p0 s3, s8;
	s8 =	simm.s32 @!p0 $0xE400  }
0xdc: {  	v8 =	vsel vm0, v9, v8;
	vm13 =	veq.s32 v60, v0;
	v9 =	vbroadcast v10, $0xF;
	v10, _, _ =	vpop (xrf2);
	[tilespmem:s8], [sflag:$0x8] =	stream.strided.gather @!p0 [hbm4b:s7+s5], $0x2000, s9, s5, $0x38;
	[tilespmem:$0x10600] =	vst v63  }
0xdd: {  	vm14 =	veq.s32 v61, v0;
	v8 =	vsel vm13, v11, v8;
	v10 =	vbroadcast v10, $0xF;
	p0 =	por p0, !p1  }
0xde: {  	vm15 =	veq.s32 v63, v0;
	v8 =	vsel vm14, v9, v8;
	s5 =	sand.u32 @p0 $0x7C0, s2  }
0xdf: {  	s0 =	sadd.s32 $0x4, s0;
	v8 =	vsel vm15, v10, v8;
	s5 =	sshrl.u32 @p0 s5, $0x2  }
0xe0: {  	[tilespmem:s5+$0x10400] =	vst @p0 v8;
	p0 =	sne.s32 s0, $0x200  }
.Ltmp0:
0xe1: {  	_ = 	snop;
	(pc) =	sbr.rel @p0 .LBB2_2-.Ltmp0, $2  }
0xe2: {  	_ =	sdelay $0x2  }
0xe3: {  	s30 =	sadd.s32 $0x1, s30;
	s2 =	sadd.s32 $0x10, s2  }
0xe4: {  	s0 =	rddreg [dreg:$0x7];
	s2 =	simm.s32 $0x10400  }
0xe5: {  	[hbm4b:s0+s4] =	stream.linear.scatter [tilespmem:s2], [sflag:$0x9], $0x200, $0x38;
	[tilespmem:$0x10600] =	vst v63  }
0xe6: {  	_ =	swait.ge [sflag:s11], $0x200  }
0xe7: {  	s31 =	sadd.s32 $0x1, s31;
	s30 =	rddreg [dreg:$0x8]  }
0xe8: {  	p0 =	sne.s32 s31, s30  }
.Ltmp1:
0xe9: {  	_ = 	snop;
	(pc) =	sbr.rel @p0 .LBB2_1-.Ltmp1, $3  }
0xea: {  	_ =	sdelay $0x1  }
0xeb: {  	[sflag:s11] =	ssyncset.done $0x0  }
0xec: {  	[sflag:s11] =	ssyncadd.s32 $0xFFFFFE00  }
0xed: {  	_ =	sfence.sel $0x180000  }
0xee: {  	[bflag:$0x0] =	sbarrier.arrive $0xFFFF  }
0xef: {  	_ =	strace $0x90000047  }
0xf0: {  	s0 =	stileid.u32;
	[bflag:$0x2] =	sbarrier.arrive $0xFFFF  }
0xf1: {  	p0 =	sne.s32 s0, $0x0;
	s0 =	rddreg [dreg:$0x4]  }
0xf2: {  	s0 =	sadd.s32 @!p0 $0x100000, s0  }
0xf3: {  	[sflag:s0] =	ssyncadd.tile.s32 @!p0 $0x1;
	_ =	shalt  }
.Lfunc_end2:
_tile_overlayer_lowered:
.L_overlay_start_2:
0xf4: {  	(tag) =	ssettag $0x2  }
0xf5: {  	s0 =	rddreg [dreg:$0x0];
	s2 =	stileid.u32  }
0xf6: {  	s1 =	rddreg [dreg:$0x1];
	p0 =	sne.s32 s2, $0x0  }
0xf7: {  	s3 =	rddreg [dreg:$0x2];
	[bflag:$0x3] =	sbarrier.arrive $0xFFFF;
	s2 =	simm.s32 @!p0 $0x1C09  }
0xf8: {  	[timem:s3], [sflag:s2] =	dma.local @!p0 [hbm:s0], s1  }
0xf9: {  	s0 =	simm.s32 @!p0 $0x9  }
0xfa: {  	_ =	swait.ge @!p0 [sflag:s0], s1  }
0xfb: {  	s1 =	ssub.s32 @!p0 $0x0, s1;
	[sflag:s0] =	ssyncset.done @!p0 $0x0  }
0xfc: {  	[sflag:s0] =	ssyncadd.s32 @!p0 s1  }
0xfd: {  	[bflag:$0x3] =	sbarrier.arrive $0xFFFF  }
0xfe: {  	_ =	shalt  }

</sc_bundles>
